<compile_context>
chip_gen: v7x
topology: tpu7x:2x2x1
jax: 0.10.2.dev20260603
libtpu: 0.0.44.dev20260713+nightly
codegen_flags: <defaults>
</compile_context>

<pallas_src>
import functools

import jax
import jax.numpy as jnp
from jax import lax
from jax.experimental import pallas as pl
from jax.experimental.pallas import tpu as pltpu
from jax.experimental.pallas import tpu_sc as plsc

VOCAB = 1000000
EMBED = 64
L_TOKENS = 16384
NC = 2
NS = 16
NW = NC * NS
NBINS = 1 << 20
BINS_PER_W = NBINS // NW

_sc_mesh = plsc.VectorSubcoreMesh(core_axis_name="c", subcore_axis_name="s")


@functools.partial(
    pl.kernel,
    out_type=jax.ShapeDtypeStruct((NBINS,), jnp.float32),
    mesh=_sc_mesh,
    compiler_params=pltpu.CompilerParams(needs_layout_passes=False),
    scratch_types=[
        pltpu.VMEM((L_TOKENS,), jnp.int32),
        pltpu.VMEM((BINS_PER_W,), jnp.float32),
    ],
)
def _histogram(idx_hbm, zeros_hbm, out_hbm, idx_v, hist_v):
    wid = lax.axis_index("s") * NC + lax.axis_index("c")
    lo = wid * BINS_PER_W
    pltpu.sync_copy(zeros_hbm, hist_v)
    pltpu.sync_copy(idx_hbm, idx_v)

    ones = jnp.ones((16,), jnp.float32)

    def body(k, carry):
        for u in range(4):
            v = idx_v[pl.ds((k * 4 + u) * 16, 16)]
            vl = v - lo
            m = plsc.bitcast(vl, jnp.uint32) < jnp.uint32(BINS_PER_W)
            vl = vl & (BINS_PER_W - 1)
            plsc.addupdate_scatter(hist_v, [vl], ones, mask=m)
        return carry

    lax.fori_loop(0, L_TOKENS // 64, body, 0)

    pltpu.sync_copy(hist_v, out_hbm.at[pl.ds(lo, BINS_PER_W)])


BLK = 16384
ACCW = 2048
NFULL = VOCAB // BLK
ALIGNED = NFULL * BLK
TAIL = VOCAB - ALIGNED
TAIL_A = 512
RAG = TAIL - TAIL_A


NBUF = 4
NGRP = NFULL // NBUF


def _matvec_mlp_body(t_hbm, c_hbm, rag_t_ref, rag_c_ref, w1_ref, b1_ref,
                     w2_ref, b2_ref, o_ref,
                     tbuf, cbuf, acc_ref, tsem0, tsem1, tsem2, tsem3,
                     csem0, csem1, csem2, csem3):
    tsems = (tsem0, tsem1, tsem2, tsem3)
    csems = (csem0, csem1, csem2, csem3)

    def fire(b, buf):
        pltpu.async_copy(
            t_hbm.at[:, pl.ds(b * BLK, BLK)], tbuf.at[buf], tsems[buf])
        pltpu.async_copy(
            c_hbm.at[pl.ds(b * BLK, BLK)], cbuf.at[buf], csems[buf])

    def fire_t(b, buf):
        pltpu.async_copy(
            t_hbm.at[:, pl.ds(b * BLK, BLK)], tbuf.at[buf], tsems[buf])
        pltpu.async_copy(
            c_hbm.at[pl.ds(b * BLK, BLK)], cbuf.at[buf], csems[buf])

    def wait(buf):
        pltpu.make_async_copy(
            t_hbm.at[:, pl.ds(0, BLK)], tbuf.at[buf], tsems[buf]).wait()
        pltpu.make_async_copy(
            c_hbm.at[pl.ds(0, BLK)], cbuf.at[buf], csems[buf]).wait()

    def accum(buf):
        t = tbuf[buf] * cbuf[buf]
        a = t[:, :8192] + t[:, 8192:]
        b = a[:, :4096] + a[:, 4096:]
        acc_ref[...] += b[:, :ACCW] + b[:, ACCW:]

    def accum_masked(buf):
        col = jax.lax.broadcasted_iota(jnp.int32, (1, BLK), 1)
        t = jnp.where(col < TAIL_A, tbuf[buf] * cbuf[buf], 0.0)
        a = t[:, :8192] + t[:, 8192:]
        b = a[:, :4096] + a[:, 4096:]
        acc_ref[...] += b[:, :ACCW] + b[:, ACCW:]

    acc_ref[...] = jnp.zeros_like(acc_ref)
    fire(0, 0)
    fire(1, 1)
    fire(2, 2)

    def grp(gg, carry):
        b0 = NBUF * gg
        for j in range(NBUF):
            b = b0 + j

            @pl.when(b + 3 < NFULL)
            def _(b=b, j=j):
                fire_t(b + 3, (j + 3) % NBUF)

            wait(j)
            accum(j)
        return carry

    lax.fori_loop(0, NGRP, grp, 0)
    wait(0)
    accum(0)

    pltpu.async_copy(
        t_hbm.at[:, pl.ds(ALIGNED, TAIL_A)],
        tbuf.at[1].at[:, pl.ds(0, TAIL_A)], tsems[1])
    pltpu.async_copy(
        c_hbm.at[pl.ds(ALIGNED, TAIL_A)],
        cbuf.at[1].at[pl.ds(0, TAIL_A)], csems[1])
    pltpu.make_async_copy(
        t_hbm.at[:, pl.ds(0, TAIL_A)],
        tbuf.at[1].at[:, pl.ds(0, TAIL_A)], tsems[1]).wait()
    pltpu.make_async_copy(
        c_hbm.at[pl.ds(0, TAIL_A)],
        cbuf.at[1].at[pl.ds(0, TAIL_A)], csems[1]).wait()
    accum_masked(1)

    e = jnp.sum(acc_ref[...], axis=1, keepdims=True)
    e = e + lax.dot_general(rag_t_ref[...], rag_c_ref[...],
                            (((1,), (0,)), ((), ())),
                            preferred_element_type=jnp.float32)
    h = lax.dot_general(w1_ref[...], e, (((1,), (0,)), ((), ())),
                        preferred_element_type=jnp.float32)
    h = jnp.maximum(h + b1_ref[...], 0.0)
    o = lax.dot_general(h, w2_ref[...], (((0,), (1,)), ((), ())),
                        preferred_element_type=jnp.float32)
    o_ref[...] = jnp.maximum(o + b2_ref[...], 0.0)


def kernel(inputs, table, W1, b1, W2, b2):
    idx = inputs.astype(jnp.int32)
    zeros = jnp.zeros((BINS_PER_W,), jnp.float32)
    counts = _histogram(idx, zeros)
    tableT = table.T
    out = pl.pallas_call(
        _matvec_mlp_body,
        in_specs=[
            pl.BlockSpec(memory_space=pltpu.HBM),
            pl.BlockSpec(memory_space=pltpu.HBM),
            pl.BlockSpec((EMBED, RAG), lambda: (0, 0)),
            pl.BlockSpec((RAG, 1), lambda: (0, 0)),
            pl.BlockSpec((128, EMBED), lambda: (0, 0)),
            pl.BlockSpec((128, 1), lambda: (0, 0)),
            pl.BlockSpec((2048, 128), lambda: (0, 0)),
            pl.BlockSpec((1, 2048), lambda: (0, 0)),
        ],
        out_specs=pl.BlockSpec((1, 2048), lambda: (0, 0)),
        out_shape=jax.ShapeDtypeStruct((1, 2048), jnp.float32),
        scratch_shapes=[
            pltpu.VMEM((NBUF, EMBED, BLK), jnp.float32),
            pltpu.VMEM((NBUF, BLK), jnp.float32),
            pltpu.VMEM((EMBED, ACCW), jnp.float32),
            pltpu.SemaphoreType.DMA,
            pltpu.SemaphoreType.DMA,
            pltpu.SemaphoreType.DMA,
            pltpu.SemaphoreType.DMA,
            pltpu.SemaphoreType.DMA,
            pltpu.SemaphoreType.DMA,
            pltpu.SemaphoreType.DMA,
            pltpu.SemaphoreType.DMA,
        ],
    )(tableT, counts,
      tableT[:, ALIGNED + TAIL_A:].astype(jnp.float32),
      counts[ALIGNED + TAIL_A:ALIGNED + TAIL_A + RAG].reshape(RAG, 1),
      W1, b1.reshape(128, 1), W2, b2.reshape(1, 2048))
    return out

# --- scband reference (transcript-rebuilt; emitter-appended) ---
"""Pipeline reference for scband-cbow-39917426049703 (READ-ONLY COPY).

The authoritative reference and input builder live on the scoring server;
editing this copy changes nothing except your own understanding.
"""

import jax, jax.numpy as jnp
import numpy as np

VOCAB = 1000000
EMBED = 64
HIDDEN = 128
OUT = 2048
L = 16384


def setup_inputs(seed: int = 0) -> dict:
    key = jax.random.key(seed)
    k1, k2, k3, k4, k5, k6 = jax.random.split(key, 6)
    inputs = jax.random.randint(k1, (L,), 0, VOCAB, dtype=jnp.int64 if jax.config.jax_enable_x64 else jnp.int32)
    table = jax.random.normal(k2, (VOCAB, EMBED), dtype=jnp.float32) * 0.02
    W1 = jax.random.normal(k3, (HIDDEN, EMBED), dtype=jnp.float32) * (1.0 / np.sqrt(EMBED))
    b1 = jax.random.normal(k4, (HIDDEN,), dtype=jnp.float32) * 0.01
    W2 = jax.random.normal(k5, (OUT, HIDDEN), dtype=jnp.float32) * (1.0 / np.sqrt(HIDDEN))
    b2 = jax.random.normal(k6, (OUT,), dtype=jnp.float32) * 0.01
    return {"inputs": inputs, "table": table, "W1": W1, "b1": b1, "W2": W2, "b2": b2}


def reference(inputs, table, W1, b1, W2, b2):
    # embeds = sum(self.embeddings(inputs)).view(1, -1)
    embeds = jnp.sum(jnp.take(table, inputs, axis=0), axis=0).reshape(1, -1)
    # linear1 + ReLU
    out = jnp.maximum(embeds @ W1.T + b1, 0.0)
    # linear2 + ReLU
    out = jnp.maximum(out @ W2.T + b2, 0.0)
    return out

if __name__ == "__main__":
    import jax
    _d = setup_inputs()
    print(jax.jit(kernel)(*tuple(_d.values())))

</pallas_src>

<mosaic_0001>
#map = affine_map<(d0, d1) -> (0)>
module attributes {stable_mosaic.version = 14 : i64} {
  func.func @_histogram(%arg0: i32, %arg1: i32, %arg2: memref<16384xi32, #tpu.memory_space<hbm>>, %arg3: memref<32768xf32, #tpu.memory_space<hbm>>, %arg4: memref<1048576xf32, #tpu.memory_space<hbm>>, %arg5: memref<16384xi32, #tpu.memory_space<vmem>>, %arg6: memref<32768xf32, #tpu.memory_space<vmem>>) attributes {dimension_semantics = [#tpu.dimension_semantics<core_parallel>, #tpu.dimension_semantics<subcore_parallel>], iteration_bounds = array<i64: 2, 16>, scalar_prefetch = 0 : i64, scratch_operands = 2 : i64, tpu.core_type = #tpu.core_type<sc_vector_subcore>, window_params = [{transform_indices = #map}, {transform_indices = #map}, {transform_indices = #map}]} {
    %mul3A = arith.constant 2 : i32
    %mul3A_0 = arith.muli %arg1, %mul3A : i32
    %add3A = arith.addi %mul3A_0, %arg0 : i32
    %mul3A_1 = arith.constant 32768 : i32
    %mul3A_2 = arith.muli %add3A, %mul3A_1 : i32
    "tpu.region"() ({
      %run_scoped3A = tpu.sem_alloc : memref<!tpu.dma_semaphore, #tpu.memory_space<semaphore_mem>>
      tpu.enqueue_dma source(%arg3 : memref<32768xf32, #tpu.memory_space<hbm>>) target(%arg6 : memref<32768xf32, #tpu.memory_space<vmem>>) target_semaphore(%run_scoped3A : memref<!tpu.dma_semaphore, #tpu.memory_space<semaphore_mem>>)
      tpu.wait_dma2 semaphore(%run_scoped3A : memref<!tpu.dma_semaphore, #tpu.memory_space<semaphore_mem>>) src(%arg3 : memref<32768xf32, #tpu.memory_space<hbm>>) dst(%arg6 : memref<32768xf32, #tpu.memory_space<vmem>>)
      tpu.yield
    }) : () -> ()
    "tpu.region"() ({
      %run_scoped3A = tpu.sem_alloc : memref<!tpu.dma_semaphore, #tpu.memory_space<semaphore_mem>>
      tpu.enqueue_dma source(%arg2 : memref<16384xi32, #tpu.memory_space<hbm>>) target(%arg5 : memref<16384xi32, #tpu.memory_space<vmem>>) target_semaphore(%run_scoped3A : memref<!tpu.dma_semaphore, #tpu.memory_space<semaphore_mem>>)
      tpu.wait_dma2 semaphore(%run_scoped3A : memref<!tpu.dma_semaphore, #tpu.memory_space<semaphore_mem>>) src(%arg2 : memref<16384xi32, #tpu.memory_space<hbm>>) dst(%arg5 : memref<16384xi32, #tpu.memory_space<vmem>>)
      tpu.yield
    }) : () -> ()
    %broadcast_in_dim3A = arith.constant 1.000000e+00 : f32
    %broadcast_in_dim3A_3 = vector.broadcast %broadcast_in_dim3A : f32 to vector<16xf32>
    %scan3A = arith.constant 0 : i32
    %scan3A_4 = arith.constant 0 : i32
    %scan3A_5 = arith.constant 256 : i32
    %scan3A_6 = arith.addi %scan3A_4, %scan3A_5 : i32
    %scan3A_7 = arith.constant 1 : i32
    scf.for %scan3A_9 = %scan3A_4 to %scan3A_6 step %scan3A_7  : i32 {
      %mul3A_10 = arith.constant 4 : i32
      %mul3A_11 = arith.muli %scan3A_9, %mul3A_10 : i32
      %add3A_12 = arith.constant 0 : i32
      %add3A_13 = arith.addi %mul3A_11, %add3A_12 : i32
      %mul3A_14 = arith.constant 16 : i32
      %mul3A_15 = arith.muli %add3A_13, %mul3A_14 : i32
      %get3A = arith.index_cast %mul3A_15 : i32 to index
      %get3A_16 = tpu.vector_load %arg5[%get3A] {strides = array<i32>} : memref<16384xi32, #tpu.memory_space<vmem>>, vector<16xi32>,
      %sub3A = vector.broadcast %mul3A_2 : i32 to vector<16xi32>
      %sub3A_17 = arith.subi %get3A_16, %sub3A : vector<16xi32>
      %bitcast3A = vector.bitcast %sub3A_17 : vector<16xi32> to vector<16xi32>
      %lt3A = arith.constant 32768 : i32
      %lt3A_18 = vector.broadcast %lt3A : i32 to vector<16xi32>
      %lt3A_19 = arith.cmpi ult, %bitcast3A, %lt3A_18 : vector<16xi32>
      %and3A = arith.constant 32767 : i32
      %and3A_20 = vector.broadcast %and3A : i32 to vector<16xi32>
      %and3A_21 = arith.andi %sub3A_17, %and3A_20 : vector<16xi32>
      tpu.vector_store_idx %arg6[%and3A_21], %broadcast_in_dim3A_3 masked %lt3A_19 {add = true} : memref<32768xf32, #tpu.memory_space<vmem>>[vector<16xi32>], vector<16xf32>, vector<16xi1>
      %mul3A_22 = arith.constant 4 : i32
      %mul3A_23 = arith.muli %scan3A_9, %mul3A_22 : i32
      %add3A_24 = arith.constant 1 : i32
      %add3A_25 = arith.addi %mul3A_23, %add3A_24 : i32
      %mul3A_26 = arith.constant 16 : i32
      %mul3A_27 = arith.muli %add3A_25, %mul3A_26 : i32
      %get3A_28 = arith.index_cast %mul3A_27 : i32 to index
      %get3A_29 = tpu.vector_load %arg5[%get3A_28] {strides = array<i32>} : memref<16384xi32, #tpu.memory_space<vmem>>, vector<16xi32>,
      %sub3A_30 = vector.broadcast %mul3A_2 : i32 to vector<16xi32>
      %sub3A_31 = arith.subi %get3A_29, %sub3A_30 : vector<16xi32>
      %bitcast3A_32 = vector.bitcast %sub3A_31 : vector<16xi32> to vector<16xi32>
      %lt3A_33 = arith.constant 32768 : i32
      %lt3A_34 = vector.broadcast %lt3A_33 : i32 to vector<16xi32>
      %lt3A_35 = arith.cmpi ult, %bitcast3A_32, %lt3A_34 : vector<16xi32>
      %and3A_36 = arith.constant 32767 : i32
      %and3A_37 = vector.broadcast %and3A_36 : i32 to vector<16xi32>
      %and3A_38 = arith.andi %sub3A_31, %and3A_37 : vector<16xi32>
      tpu.vector_store_idx %arg6[%and3A_38], %broadcast_in_dim3A_3 masked %lt3A_35 {add = true} : memref<32768xf32, #tpu.memory_space<vmem>>[vector<16xi32>], vector<16xf32>, vector<16xi1>
      %mul3A_39 = arith.constant 4 : i32
      %mul3A_40 = arith.muli %scan3A_9, %mul3A_39 : i32
      %add3A_41 = arith.constant 2 : i32
      %add3A_42 = arith.addi %mul3A_40, %add3A_41 : i32
      %mul3A_43 = arith.constant 16 : i32
      %mul3A_44 = arith.muli %add3A_42, %mul3A_43 : i32
      %get3A_45 = arith.index_cast %mul3A_44 : i32 to index
      %get3A_46 = tpu.vector_load %arg5[%get3A_45] {strides = array<i32>} : memref<16384xi32, #tpu.memory_space<vmem>>, vector<16xi32>,
      %sub3A_47 = vector.broadcast %mul3A_2 : i32 to vector<16xi32>
      %sub3A_48 = arith.subi %get3A_46, %sub3A_47 : vector<16xi32>
      %bitcast3A_49 = vector.bitcast %sub3A_48 : vector<16xi32> to vector<16xi32>
      %lt3A_50 = arith.constant 32768 : i32
      %lt3A_51 = vector.broadcast %lt3A_50 : i32 to vector<16xi32>
      %lt3A_52 = arith.cmpi ult, %bitcast3A_49, %lt3A_51 : vector<16xi32>
      %and3A_53 = arith.constant 32767 : i32
      %and3A_54 = vector.broadcast %and3A_53 : i32 to vector<16xi32>
      %and3A_55 = arith.andi %sub3A_48, %and3A_54 : vector<16xi32>
      tpu.vector_store_idx %arg6[%and3A_55], %broadcast_in_dim3A_3 masked %lt3A_52 {add = true} : memref<32768xf32, #tpu.memory_space<vmem>>[vector<16xi32>], vector<16xf32>, vector<16xi1>
      %mul3A_56 = arith.constant 4 : i32
      %mul3A_57 = arith.muli %scan3A_9, %mul3A_56 : i32
      %add3A_58 = arith.constant 3 : i32
      %add3A_59 = arith.addi %mul3A_57, %add3A_58 : i32
      %mul3A_60 = arith.constant 16 : i32
      %mul3A_61 = arith.muli %add3A_59, %mul3A_60 : i32
      %get3A_62 = arith.index_cast %mul3A_61 : i32 to index
      %get3A_63 = tpu.vector_load %arg5[%get3A_62] {strides = array<i32>} : memref<16384xi32, #tpu.memory_space<vmem>>, vector<16xi32>,
      %sub3A_64 = vector.broadcast %mul3A_2 : i32 to vector<16xi32>
      %sub3A_65 = arith.subi %get3A_63, %sub3A_64 : vector<16xi32>
      %bitcast3A_66 = vector.bitcast %sub3A_65 : vector<16xi32> to vector<16xi32>
      %lt3A_67 = arith.constant 32768 : i32
      %lt3A_68 = vector.broadcast %lt3A_67 : i32 to vector<16xi32>
      %lt3A_69 = arith.cmpi ult, %bitcast3A_66, %lt3A_68 : vector<16xi32>
      %and3A_70 = arith.constant 32767 : i32
      %and3A_71 = vector.broadcast %and3A_70 : i32 to vector<16xi32>
      %and3A_72 = arith.andi %sub3A_65, %and3A_71 : vector<16xi32>
      tpu.vector_store_idx %arg6[%and3A_72], %broadcast_in_dim3A_3 masked %lt3A_69 {add = true} : memref<32768xf32, #tpu.memory_space<vmem>>[vector<16xi32>], vector<16xf32>, vector<16xi1>
    }
    %scan3A_8 = arith.constant 256 : i32
    "tpu.region"() ({
      %run_scoped3A = tpu.sem_alloc : memref<!tpu.dma_semaphore, #tpu.memory_space<semaphore_mem>>
      %dma_start3A = tpu.memref_slice %arg4[%mul3A_2] : memref<1048576xf32, #tpu.memory_space<hbm>> -> memref<32768xf32, #tpu.memory_space<hbm>>
      %dma_start3A_9 = tpu.memref_slice %arg4[%mul3A_2] : memref<1048576xf32, #tpu.memory_space<hbm>> -> memref<32768xf32, #tpu.memory_space<hbm>>
      tpu.enqueue_dma source(%arg6 : memref<32768xf32, #tpu.memory_space<vmem>>) target(%dma_start3A_9 : memref<32768xf32, #tpu.memory_space<hbm>>) target_semaphore(%run_scoped3A : memref<!tpu.dma_semaphore, #tpu.memory_space<semaphore_mem>>)
      %dma_wait3A = tpu.memref_slice %arg4[%mul3A_2] : memref<1048576xf32, #tpu.memory_space<hbm>> -> memref<32768xf32, #tpu.memory_space<hbm>>
      %dma_wait3A_10 = tpu.memref_slice %arg4[%mul3A_2] : memref<1048576xf32, #tpu.memory_space<hbm>> -> memref<32768xf32, #tpu.memory_space<hbm>>
      tpu.wait_dma2 semaphore(%run_scoped3A : memref<!tpu.dma_semaphore, #tpu.memory_space<semaphore_mem>>) src(%arg6 : memref<32768xf32, #tpu.memory_space<vmem>>) dst(%dma_wait3A_10 : memref<32768xf32, #tpu.memory_space<hbm>>)
      tpu.yield
    }) : () -> ()
    return
  }
}

module attributes {stable_mosaic.version = 14 : i64} {
  func.func @_matvec_mlp_body(%arg0: memref<64x1000000xf32, #tpu.memory_space<hbm>>, %arg1: memref<1048576xf32, #tpu.memory_space<hbm>>, %arg2: memref<64x64xf32, #tpu.memory_space<vmem>>, %arg3: memref<64x1xf32, #tpu.memory_space<vmem>>, %arg4: memref<128x64xf32, #tpu.memory_space<vmem>>, %arg5: memref<128x1xf32, #tpu.memory_space<vmem>>, %arg6: memref<2048x128xf32, #tpu.memory_space<vmem>>, %arg7: memref<1x2048xf32, #tpu.memory_space<vmem>>, %arg8: memref<1x2048xf32, #tpu.memory_space<vmem>>, %arg9: memref<4x64x16384xf32, #tpu.memory_space<vmem>>, %arg10: memref<4x16384xf32, #tpu.memory_space<vmem>>, %arg11: memref<64x2048xf32, #tpu.memory_space<vmem>>, %arg12: memref<!tpu.dma_semaphore, #tpu.memory_space<semaphore_mem>>, %arg13: memref<!tpu.dma_semaphore, #tpu.memory_space<semaphore_mem>>, %arg14: memref<!tpu.dma_semaphore, #tpu.memory_space<semaphore_mem>>, %arg15: memref<!tpu.dma_semaphore, #tpu.memory_space<semaphore_mem>>, %arg16: memref<!tpu.dma_semaphore, #tpu.memory_space<semaphore_mem>>, %arg17: memref<!tpu.dma_semaphore, #tpu.memory_space<semaphore_mem>>, %arg18: memref<!tpu.dma_semaphore, #tpu.memory_space<semaphore_mem>>, %arg19: memref<!tpu.dma_semaphore, #tpu.memory_space<semaphore_mem>>) attributes {dimension_semantics = [], scalar_prefetch = 0 : i64, scratch_operands = 11 : i64, tpu.core_type = #tpu.core_type<tc>} {
    %broadcast_in_dim3A = arith.constant 0.000000e+00 : f32
    %broadcast_in_dim3A_0 = vector.broadcast %broadcast_in_dim3A : f32 to vector<64x2048xf32>
    %swap3A = arith.constant 0 : index
    %swap3A_1 = arith.constant 0 : index
    %swap3A_2 = vector.load %arg11[%swap3A, %swap3A_1] : memref<64x2048xf32, #tpu.memory_space<vmem>>, vector<64x2048xf32>
    tpu.vector_store %arg11[%swap3A, %swap3A_1], %broadcast_in_dim3A_0 {strides = array<i32>} : memref<64x2048xf32, #tpu.memory_space<vmem>>, vector<64x2048xf32>,
    %dma_start3A = arith.constant 0 : i32
    %dma_start3A_3 = arith.constant 0 : i32
    %dma_start3A_4 = arith.constant 0 : i32
    %dma_start3A_5 = tpu.memref_slice %arg9[%dma_start3A, %dma_start3A_3, %dma_start3A_4] : memref<4x64x16384xf32, #tpu.memory_space<vmem>> -> memref<1x64x16384xf32, #tpu.memory_space<vmem>>
    %dma_start3A_6 = tpu.memref_squeeze %dma_start3A_5 : memref<1x64x16384xf32, #tpu.memory_space<vmem>> -> memref<64x16384xf32, #tpu.memory_space<vmem>>
    %dma_start3A_7 = arith.constant 0 : i32
    %dma_start3A_8 = arith.constant 0 : i32
    %dma_start3A_9 = tpu.memref_slice %arg0[%dma_start3A_7, %dma_start3A_8] : memref<64x1000000xf32, #tpu.memory_space<hbm>> -> memref<64x16384xf32, #tpu.memory_space<hbm>>
    tpu.enqueue_dma source(%dma_start3A_9 : memref<64x16384xf32, #tpu.memory_space<hbm>>) target(%dma_start3A_6 : memref<64x16384xf32, #tpu.memory_space<vmem>>) target_semaphore(%arg12 : memref<!tpu.dma_semaphore, #tpu.memory_space<semaphore_mem>>)
    %dma_start3A_10 = arith.constant 0 : i32
    %dma_start3A_11 = arith.constant 0 : i32
    %dma_start3A_12 = tpu.memref_slice %arg10[%dma_start3A_10, %dma_start3A_11] : memref<4x16384xf32, #tpu.memory_space<vmem>> -> memref<1x16384xf32, #tpu.memory_space<vmem>>
    %dma_start3A_13 = tpu.memref_squeeze %dma_start3A_12 : memref<1x16384xf32, #tpu.memory_space<vmem>> -> memref<16384xf32, #tpu.memory_space<vmem>>
    %dma_start3A_14 = arith.constant 0 : i32
    %dma_start3A_15 = tpu.memref_slice %arg1[%dma_start3A_14] : memref<1048576xf32, #tpu.memory_space<hbm>> -> memref<16384xf32, #tpu.memory_space<hbm>>
    tpu.enqueue_dma source(%dma_start3A_15 : memref<16384xf32, #tpu.memory_space<hbm>>) target(%dma_start3A_13 : memref<16384xf32, #tpu.memory_space<vmem>>) target_semaphore(%arg16 : memref<!tpu.dma_semaphore, #tpu.memory_space<semaphore_mem>>)
    %dma_start3A_16 = arith.constant 1 : i32
    %dma_start3A_17 = arith.constant 0 : i32
    %dma_start3A_18 = arith.constant 0 : i32
    %dma_start3A_19 = tpu.memref_slice %arg9[%dma_start3A_16, %dma_start3A_17, %dma_start3A_18] : memref<4x64x16384xf32, #tpu.memory_space<vmem>> -> memref<1x64x16384xf32, #tpu.memory_space<vmem>>
    %dma_start3A_20 = tpu.memref_squeeze %dma_start3A_19 : memref<1x64x16384xf32, #tpu.memory_space<vmem>> -> memref<64x16384xf32, #tpu.memory_space<vmem>>
    %dma_start3A_21 = arith.constant 0 : i32
    %dma_start3A_22 = arith.constant 16384 : i32
    %dma_start3A_23 = tpu.memref_slice %arg0[%dma_start3A_21, %dma_start3A_22] : memref<64x1000000xf32, #tpu.memory_space<hbm>> -> memref<64x16384xf32, #tpu.memory_space<hbm>>
    tpu.enqueue_dma source(%dma_start3A_23 : memref<64x16384xf32, #tpu.memory_space<hbm>>) target(%dma_start3A_20 : memref<64x16384xf32, #tpu.memory_space<vmem>>) target_semaphore(%arg13 : memref<!tpu.dma_semaphore, #tpu.memory_space<semaphore_mem>>)
    %dma_start3A_24 = arith.constant 1 : i32
    %dma_start3A_25 = arith.constant 0 : i32
    %dma_start3A_26 = tpu.memref_slice %arg10[%dma_start3A_24, %dma_start3A_25] : memref<4x16384xf32, #tpu.memory_space<vmem>> -> memref<1x16384xf32, #tpu.memory_space<vmem>>
    %dma_start3A_27 = tpu.memref_squeeze %dma_start3A_26 : memref<1x16384xf32, #tpu.memory_space<vmem>> -> memref<16384xf32, #tpu.memory_space<vmem>>
    %dma_start3A_28 = arith.constant 16384 : i32
    %dma_start3A_29 = tpu.memref_slice %arg1[%dma_start3A_28] : memref<1048576xf32, #tpu.memory_space<hbm>> -> memref<16384xf32, #tpu.memory_space<hbm>>
    tpu.enqueue_dma source(%dma_start3A_29 : memref<16384xf32, #tpu.memory_space<hbm>>) target(%dma_start3A_27 : memref<16384xf32, #tpu.memory_space<vmem>>) target_semaphore(%arg17 : memref<!tpu.dma_semaphore, #tpu.memory_space<semaphore_mem>>)
    %dma_start3A_30 = arith.constant 2 : i32
    %dma_start3A_31 = arith.constant 0 : i32
    %dma_start3A_32 = arith.constant 0 : i32
    %dma_start3A_33 = tpu.memref_slice %arg9[%dma_start3A_30, %dma_start3A_31, %dma_start3A_32] : memref<4x64x16384xf32, #tpu.memory_space<vmem>> -> memref<1x64x16384xf32, #tpu.memory_space<vmem>>
    %dma_start3A_34 = tpu.memref_squeeze %dma_start3A_33 : memref<1x64x16384xf32, #tpu.memory_space<vmem>> -> memref<64x16384xf32, #tpu.memory_space<vmem>>
    %dma_start3A_35 = arith.constant 0 : i32
    %dma_start3A_36 = arith.constant 32768 : i32
    %dma_start3A_37 = tpu.memref_slice %arg0[%dma_start3A_35, %dma_start3A_36] : memref<64x1000000xf32, #tpu.memory_space<hbm>> -> memref<64x16384xf32, #tpu.memory_space<hbm>>
    tpu.enqueue_dma source(%dma_start3A_37 : memref<64x16384xf32, #tpu.memory_space<hbm>>) target(%dma_start3A_34 : memref<64x16384xf32, #tpu.memory_space<vmem>>) target_semaphore(%arg14 : memref<!tpu.dma_semaphore, #tpu.memory_space<semaphore_mem>>)
    %dma_start3A_38 = arith.constant 2 : i32
    %dma_start3A_39 = arith.constant 0 : i32
    %dma_start3A_40 = tpu.memref_slice %arg10[%dma_start3A_38, %dma_start3A_39] : memref<4x16384xf32, #tpu.memory_space<vmem>> -> memref<1x16384xf32, #tpu.memory_space<vmem>>
    %dma_start3A_41 = tpu.memref_squeeze %dma_start3A_40 : memref<1x16384xf32, #tpu.memory_space<vmem>> -> memref<16384xf32, #tpu.memory_space<vmem>>
    %dma_start3A_42 = arith.constant 32768 : i32
    %dma_start3A_43 = tpu.memref_slice %arg1[%dma_start3A_42] : memref<1048576xf32, #tpu.memory_space<hbm>> -> memref<16384xf32, #tpu.memory_space<hbm>>
    tpu.enqueue_dma source(%dma_start3A_43 : memref<16384xf32, #tpu.memory_space<hbm>>) target(%dma_start3A_41 : memref<16384xf32, #tpu.memory_space<vmem>>) target_semaphore(%arg18 : memref<!tpu.dma_semaphore, #tpu.memory_space<semaphore_mem>>)
    %scan3A = arith.constant 0 : i32
    %scan3A_44 = arith.constant 15 : i32
    %scan3A_45 = arith.addi %scan3A, %scan3A_44 : i32
    %scan3A_46 = arith.constant 1 : i32
    scf.for %scan3A_195 = %scan3A to %scan3A_45 step %scan3A_46  : i32 {
      %mul3A_196 = arith.constant 4 : i32
      %mul3A_197 = arith.muli %mul3A_196, %scan3A_195 : i32
      %add3A_198 = arith.constant 0 : i32
      %add3A_199 = arith.addi %mul3A_197, %add3A_198 : i32
      %add3A_200 = arith.constant 3 : i32
      %add3A_201 = arith.addi %add3A_199, %add3A_200 : i32
      %lt3A_202 = arith.constant 61 : i32
      %lt3A_203 = arith.cmpi slt, %add3A_201, %lt3A_202 : i32
      %convert_element_type3A = arith.extui %lt3A_203 : i1 to i32
      %cond3A = arith.constant 0 : i32
      %cond3A_204 = arith.cmpi ne, %convert_element_type3A, %cond3A : i32
      scf.if %cond3A_204 {
        %add3A_400 = arith.constant 3 : i32
        %add3A_401 = arith.addi %add3A_199, %add3A_400 : i32
        %mul3A_402 = arith.constant 16384 : i32
        %mul3A_403 = arith.muli %add3A_401, %mul3A_402 : i32
        %dma_start3A_404 = arith.constant 3 : i32
        %dma_start3A_405 = arith.constant 0 : i32
        %dma_start3A_406 = arith.constant 0 : i32
        %dma_start3A_407 = tpu.memref_slice %arg9[%dma_start3A_404, %dma_start3A_405, %dma_start3A_406] : memref<4x64x16384xf32, #tpu.memory_space<vmem>> -> memref<1x64x16384xf32, #tpu.memory_space<vmem>>
        %dma_start3A_408 = tpu.memref_squeeze %dma_start3A_407 : memref<1x64x16384xf32, #tpu.memory_space<vmem>> -> memref<64x16384xf32, #tpu.memory_space<vmem>>
        %dma_start3A_409 = arith.constant 0 : i32
        %dma_start3A_410 = tpu.memref_slice %arg0[%dma_start3A_409, %mul3A_403] : memref<64x1000000xf32, #tpu.memory_space<hbm>> -> memref<64x16384xf32, #tpu.memory_space<hbm>>
        tpu.enqueue_dma source(%dma_start3A_410 : memref<64x16384xf32, #tpu.memory_space<hbm>>) target(%dma_start3A_408 : memref<64x16384xf32, #tpu.memory_space<vmem>>) target_semaphore(%arg15 : memref<!tpu.dma_semaphore, #tpu.memory_space<semaphore_mem>>)
        %mul3A_411 = arith.constant 16384 : i32
        %mul3A_412 = arith.muli %add3A_401, %mul3A_411 : i32
        %dma_start3A_413 = arith.constant 3 : i32
        %dma_start3A_414 = arith.constant 0 : i32
        %dma_start3A_415 = tpu.memref_slice %arg10[%dma_start3A_413, %dma_start3A_414] : memref<4x16384xf32, #tpu.memory_space<vmem>> -> memref<1x16384xf32, #tpu.memory_space<vmem>>
        %dma_start3A_416 = tpu.memref_squeeze %dma_start3A_415 : memref<1x16384xf32, #tpu.memory_space<vmem>> -> memref<16384xf32, #tpu.memory_space<vmem>>
        %dma_start3A_417 = tpu.memref_slice %arg1[%mul3A_412] : memref<1048576xf32, #tpu.memory_space<hbm>> -> memref<16384xf32, #tpu.memory_space<hbm>>
        tpu.enqueue_dma source(%dma_start3A_417 : memref<16384xf32, #tpu.memory_space<hbm>>) target(%dma_start3A_416 : memref<16384xf32, #tpu.memory_space<vmem>>) target_semaphore(%arg19 : memref<!tpu.dma_semaphore, #tpu.memory_space<semaphore_mem>>)
      } else {
      }
      %dma_wait3A_205 = arith.constant 0 : i32
      %dma_wait3A_206 = arith.constant 0 : i32
      %dma_wait3A_207 = arith.constant 0 : i32
      %dma_wait3A_208 = tpu.memref_slice %arg9[%dma_wait3A_205, %dma_wait3A_206, %dma_wait3A_207] : memref<4x64x16384xf32, #tpu.memory_space<vmem>> -> memref<1x64x16384xf32, #tpu.memory_space<vmem>>
      %dma_wait3A_209 = tpu.memref_squeeze %dma_wait3A_208 : memref<1x64x16384xf32, #tpu.memory_space<vmem>> -> memref<64x16384xf32, #tpu.memory_space<vmem>>
      %dma_wait3A_210 = arith.constant 0 : i32
      %dma_wait3A_211 = arith.constant 0 : i32
      %dma_wait3A_212 = tpu.memref_slice %arg0[%dma_wait3A_210, %dma_wait3A_211] : memref<64x1000000xf32, #tpu.memory_space<hbm>> -> memref<64x16384xf32, #tpu.memory_space<hbm>>
      tpu.wait_dma2 semaphore(%arg12 : memref<!tpu.dma_semaphore, #tpu.memory_space<semaphore_mem>>) src(%dma_wait3A_212 : memref<64x16384xf32, #tpu.memory_space<hbm>>) dst(%dma_wait3A_209 : memref<64x16384xf32, #tpu.memory_space<vmem>>)
      %dma_wait3A_213 = arith.constant 0 : i32
      %dma_wait3A_214 = arith.constant 0 : i32
      %dma_wait3A_215 = tpu.memref_slice %arg10[%dma_wait3A_213, %dma_wait3A_214] : memref<4x16384xf32, #tpu.memory_space<vmem>> -> memref<1x16384xf32, #tpu.memory_space<vmem>>
      %dma_wait3A_216 = tpu.memref_squeeze %dma_wait3A_215 : memref<1x16384xf32, #tpu.memory_space<vmem>> -> memref<16384xf32, #tpu.memory_space<vmem>>
      %dma_wait3A_217 = arith.constant 0 : i32
      %dma_wait3A_218 = tpu.memref_slice %arg1[%dma_wait3A_217] : memref<1048576xf32, #tpu.memory_space<hbm>> -> memref<16384xf32, #tpu.memory_space<hbm>>
      tpu.wait_dma2 semaphore(%arg16 : memref<!tpu.dma_semaphore, #tpu.memory_space<semaphore_mem>>) src(%dma_wait3A_218 : memref<16384xf32, #tpu.memory_space<hbm>>) dst(%dma_wait3A_216 : memref<16384xf32, #tpu.memory_space<vmem>>)
      %get3A_219 = arith.constant 0 : index
      %get3A_220 = arith.constant 0 : index
      %get3A_221 = arith.constant 0 : index
      %get3A_222 = vector.load %arg9[%get3A_219, %get3A_220, %get3A_221] : memref<4x64x16384xf32, #tpu.memory_space<vmem>>, vector<1x64x16384xf32>
      %get3A_223 = vector.shape_cast %get3A_222 : vector<1x64x16384xf32> to vector<64x16384xf32>
      %get3A_224 = arith.constant 0 : index
      %get3A_225 = arith.constant 0 : index
      %get3A_226 = vector.load %arg10[%get3A_224, %get3A_225] : memref<4x16384xf32, #tpu.memory_space<vmem>>, vector<1x16384xf32>
      %get3A_227 = vector.shape_cast %get3A_226 : vector<1x16384xf32> to vector<16384xf32>
      %broadcast_in_dim3A_228 = vector.shape_cast %get3A_227 : vector<16384xf32> to vector<1x16384xf32>
      %mul3A_229 = vector.broadcast %broadcast_in_dim3A_228 : vector<1x16384xf32> to vector<64x16384xf32>
      %mul3A_230 = arith.mulf %get3A_223, %mul3A_229 : vector<64x16384xf32>
      %slice3A_231 = vector.extract_strided_slice %mul3A_230 {offsets = [0, 0], sizes = [64, 8192], strides = [1, 1]} : vector<64x16384xf32> to vector<64x8192xf32>
      %slice3A_232 = vector.extract_strided_slice %mul3A_230 {offsets = [0, 8192], sizes = [64, 8192], strides = [1, 1]} : vector<64x16384xf32> to vector<64x8192xf32>
      %add3A_233 = arith.addf %slice3A_231, %slice3A_232 : vector<64x8192xf32>
      %slice3A_234 = vector.extract_strided_slice %add3A_233 {offsets = [0, 0], sizes = [64, 4096], strides = [1, 1]} : vector<64x8192xf32> to vector<64x4096xf32>
      %slice3A_235 = vector.extract_strided_slice %add3A_233 {offsets = [0, 4096], sizes = [64, 4096], strides = [1, 1]} : vector<64x8192xf32> to vector<64x4096xf32>
      %add3A_236 = arith.addf %slice3A_234, %slice3A_235 : vector<64x4096xf32>
      %get3A_237 = arith.constant 0 : index
      %get3A_238 = arith.constant 0 : index
      %get3A_239 = vector.load %arg11[%get3A_237, %get3A_238] : memref<64x2048xf32, #tpu.memory_space<vmem>>, vector<64x2048xf32>
      %slice3A_240 = vector.extract_strided_slice %add3A_236 {offsets = [0, 0], sizes = [64, 2048], strides = [1, 1]} : vector<64x4096xf32> to vector<64x2048xf32>
      %slice3A_241 = vector.extract_strided_slice %add3A_236 {offsets = [0, 2048], sizes = [64, 2048], strides = [1, 1]} : vector<64x4096xf32> to vector<64x2048xf32>
      %add3A_242 = arith.addf %slice3A_240, %slice3A_241 : vector<64x2048xf32>
      %add3A_243 = arith.addf %get3A_239, %add3A_242 : vector<64x2048xf32>
      %swap3A_244 = arith.constant 0 : index
      %swap3A_245 = arith.constant 0 : index
      %swap3A_246 = vector.load %arg11[%swap3A_244, %swap3A_245] : memref<64x2048xf32, #tpu.memory_space<vmem>>, vector<64x2048xf32>
      tpu.vector_store %arg11[%swap3A_244, %swap3A_245], %add3A_243 {strides = array<i32>} : memref<64x2048xf32, #tpu.memory_space<vmem>>, vector<64x2048xf32>,
      %add3A_247 = arith.constant 1 : i32
      %add3A_248 = arith.addi %mul3A_197, %add3A_247 : i32
      %add3A_249 = arith.constant 3 : i32
      %add3A_250 = arith.addi %add3A_248, %add3A_249 : i32
      %lt3A_251 = arith.constant 61 : i32
      %lt3A_252 = arith.cmpi slt, %add3A_250, %lt3A_251 : i32
      %convert_element_type3A_253 = arith.extui %lt3A_252 : i1 to i32
      %cond3A_254 = arith.constant 0 : i32
      %cond3A_255 = arith.cmpi ne, %convert_element_type3A_253, %cond3A_254 : i32
      scf.if %cond3A_255 {
        %add3A_400 = arith.constant 3 : i32
        %add3A_401 = arith.addi %add3A_248, %add3A_400 : i32
        %mul3A_402 = arith.constant 16384 : i32
        %mul3A_403 = arith.muli %add3A_401, %mul3A_402 : i32
        %dma_start3A_404 = arith.constant 0 : i32
        %dma_start3A_405 = arith.constant 0 : i32
        %dma_start3A_406 = arith.constant 0 : i32
        %dma_start3A_407 = tpu.memref_slice %arg9[%dma_start3A_404, %dma_start3A_405, %dma_start3A_406] : memref<4x64x16384xf32, #tpu.memory_space<vmem>> -> memref<1x64x16384xf32, #tpu.memory_space<vmem>>
        %dma_start3A_408 = tpu.memref_squeeze %dma_start3A_407 : memref<1x64x16384xf32, #tpu.memory_space<vmem>> -> memref<64x16384xf32, #tpu.memory_space<vmem>>
        %dma_start3A_409 = arith.constant 0 : i32
        %dma_start3A_410 = tpu.memref_slice %arg0[%dma_start3A_409, %mul3A_403] : memref<64x1000000xf32, #tpu.memory_space<hbm>> -> memref<64x16384xf32, #tpu.memory_space<hbm>>
        tpu.enqueue_dma source(%dma_start3A_410 : memref<64x16384xf32, #tpu.memory_space<hbm>>) target(%dma_start3A_408 : memref<64x16384xf32, #tpu.memory_space<vmem>>) target_semaphore(%arg12 : memref<!tpu.dma_semaphore, #tpu.memory_space<semaphore_mem>>)
        %mul3A_411 = arith.constant 16384 : i32
        %mul3A_412 = arith.muli %add3A_401, %mul3A_411 : i32
        %dma_start3A_413 = arith.constant 0 : i32
        %dma_start3A_414 = arith.constant 0 : i32
        %dma_start3A_415 = tpu.memref_slice %arg10[%dma_start3A_413, %dma_start3A_414] : memref<4x16384xf32, #tpu.memory_space<vmem>> -> memref<1x16384xf32, #tpu.memory_space<vmem>>
        %dma_start3A_416 = tpu.memref_squeeze %dma_start3A_415 : memref<1x16384xf32, #tpu.memory_space<vmem>> -> memref<16384xf32, #tpu.memory_space<vmem>>
        %dma_start3A_417 = tpu.memref_slice %arg1[%mul3A_412] : memref<1048576xf32, #tpu.memory_space<hbm>> -> memref<16384xf32, #tpu.memory_space<hbm>>
        tpu.enqueue_dma source(%dma_start3A_417 : memref<16384xf32, #tpu.memory_space<hbm>>) target(%dma_start3A_416 : memref<16384xf32, #tpu.memory_space<vmem>>) target_semaphore(%arg16 : memref<!tpu.dma_semaphore, #tpu.memory_space<semaphore_mem>>)
      } else {
      }
      %dma_wait3A_256 = arith.constant 1 : i32
      %dma_wait3A_257 = arith.constant 0 : i32
      %dma_wait3A_258 = arith.constant 0 : i32
      %dma_wait3A_259 = tpu.memref_slice %arg9[%dma_wait3A_256, %dma_wait3A_257, %dma_wait3A_258] : memref<4x64x16384xf32, #tpu.memory_space<vmem>> -> memref<1x64x16384xf32, #tpu.memory_space<vmem>>
      %dma_wait3A_260 = tpu.memref_squeeze %dma_wait3A_259 : memref<1x64x16384xf32, #tpu.memory_space<vmem>> -> memref<64x16384xf32, #tpu.memory_space<vmem>>
      %dma_wait3A_261 = arith.constant 0 : i32
      %dma_wait3A_262 = arith.constant 0 : i32
      %dma_wait3A_263 = tpu.memref_slice %arg0[%dma_wait3A_261, %dma_wait3A_262] : memref<64x1000000xf32, #tpu.memory_space<hbm>> -> memref<64x16384xf32, #tpu.memory_space<hbm>>
      tpu.wait_dma2 semaphore(%arg13 : memref<!tpu.dma_semaphore, #tpu.memory_space<semaphore_mem>>) src(%dma_wait3A_263 : memref<64x16384xf32, #tpu.memory_space<hbm>>) dst(%dma_wait3A_260 : memref<64x16384xf32, #tpu.memory_space<vmem>>)
      %dma_wait3A_264 = arith.constant 1 : i32
      %dma_wait3A_265 = arith.constant 0 : i32
      %dma_wait3A_266 = tpu.memref_slice %arg10[%dma_wait3A_264, %dma_wait3A_265] : memref<4x16384xf32, #tpu.memory_space<vmem>> -> memref<1x16384xf32, #tpu.memory_space<vmem>>
      %dma_wait3A_267 = tpu.memref_squeeze %dma_wait3A_266 : memref<1x16384xf32, #tpu.memory_space<vmem>> -> memref<16384xf32, #tpu.memory_space<vmem>>
      %dma_wait3A_268 = arith.constant 0 : i32
      %dma_wait3A_269 = tpu.memref_slice %arg1[%dma_wait3A_268] : memref<1048576xf32, #tpu.memory_space<hbm>> -> memref<16384xf32, #tpu.memory_space<hbm>>
      tpu.wait_dma2 semaphore(%arg17 : memref<!tpu.dma_semaphore, #tpu.memory_space<semaphore_mem>>) src(%dma_wait3A_269 : memref<16384xf32, #tpu.memory_space<hbm>>) dst(%dma_wait3A_267 : memref<16384xf32, #tpu.memory_space<vmem>>)
      %get3A_270 = arith.constant 1 : index
      %get3A_271 = arith.constant 0 : index
      %get3A_272 = arith.constant 0 : index
      %get3A_273 = vector.load %arg9[%get3A_270, %get3A_271, %get3A_272] : memref<4x64x16384xf32, #tpu.memory_space<vmem>>, vector<1x64x16384xf32>
      %get3A_274 = vector.shape_cast %get3A_273 : vector<1x64x16384xf32> to vector<64x16384xf32>
      %get3A_275 = arith.constant 1 : index
      %get3A_276 = arith.constant 0 : index
      %get3A_277 = vector.load %arg10[%get3A_275, %get3A_276] : memref<4x16384xf32, #tpu.memory_space<vmem>>, vector<1x16384xf32>
      %get3A_278 = vector.shape_cast %get3A_277 : vector<1x16384xf32> to vector<16384xf32>
      %broadcast_in_dim3A_279 = vector.shape_cast %get3A_278 : vector<16384xf32> to vector<1x16384xf32>
      %mul3A_280 = vector.broadcast %broadcast_in_dim3A_279 : vector<1x16384xf32> to vector<64x16384xf32>
      %mul3A_281 = arith.mulf %get3A_274, %mul3A_280 : vector<64x16384xf32>
      %slice3A_282 = vector.extract_strided_slice %mul3A_281 {offsets = [0, 0], sizes = [64, 8192], strides = [1, 1]} : vector<64x16384xf32> to vector<64x8192xf32>
      %slice3A_283 = vector.extract_strided_slice %mul3A_281 {offsets = [0, 8192], sizes = [64, 8192], strides = [1, 1]} : vector<64x16384xf32> to vector<64x8192xf32>
      %add3A_284 = arith.addf %slice3A_282, %slice3A_283 : vector<64x8192xf32>
      %slice3A_285 = vector.extract_strided_slice %add3A_284 {offsets = [0, 0], sizes = [64, 4096], strides = [1, 1]} : vector<64x8192xf32> to vector<64x4096xf32>
      %slice3A_286 = vector.extract_strided_slice %add3A_284 {offsets = [0, 4096], sizes = [64, 4096], strides = [1, 1]} : vector<64x8192xf32> to vector<64x4096xf32>
      %add3A_287 = arith.addf %slice3A_285, %slice3A_286 : vector<64x4096xf32>
      %get3A_288 = arith.constant 0 : index
      %get3A_289 = arith.constant 0 : index
      %get3A_290 = vector.load %arg11[%get3A_288, %get3A_289] : memref<64x2048xf32, #tpu.memory_space<vmem>>, vector<64x2048xf32>
      %slice3A_291 = vector.extract_strided_slice %add3A_287 {offsets = [0, 0], sizes = [64, 2048], strides = [1, 1]} : vector<64x4096xf32> to vector<64x2048xf32>
      %slice3A_292 = vector.extract_strided_slice %add3A_287 {offsets = [0, 2048], sizes = [64, 2048], strides = [1, 1]} : vector<64x4096xf32> to vector<64x2048xf32>
      %add3A_293 = arith.addf %slice3A_291, %slice3A_292 : vector<64x2048xf32>
      %add3A_294 = arith.addf %get3A_290, %add3A_293 : vector<64x2048xf32>
      %swap3A_295 = arith.constant 0 : index
      %swap3A_296 = arith.constant 0 : index
      %swap3A_297 = vector.load %arg11[%swap3A_295, %swap3A_296] : memref<64x2048xf32, #tpu.memory_space<vmem>>, vector<64x2048xf32>
      tpu.vector_store %arg11[%swap3A_295, %swap3A_296], %add3A_294 {strides = array<i32>} : memref<64x2048xf32, #tpu.memory_space<vmem>>, vector<64x2048xf32>,
      %add3A_298 = arith.constant 2 : i32
      %add3A_299 = arith.addi %mul3A_197, %add3A_298 : i32
      %add3A_300 = arith.constant 3 : i32
      %add3A_301 = arith.addi %add3A_299, %add3A_300 : i32
      %lt3A_302 = arith.constant 61 : i32
      %lt3A_303 = arith.cmpi slt, %add3A_301, %lt3A_302 : i32
      %convert_element_type3A_304 = arith.extui %lt3A_303 : i1 to i32
      %cond3A_305 = arith.constant 0 : i32
      %cond3A_306 = arith.cmpi ne, %convert_element_type3A_304, %cond3A_305 : i32
      scf.if %cond3A_306 {
        %add3A_400 = arith.constant 3 : i32
        %add3A_401 = arith.addi %add3A_299, %add3A_400 : i32
        %mul3A_402 = arith.constant 16384 : i32
        %mul3A_403 = arith.muli %add3A_401, %mul3A_402 : i32
        %dma_start3A_404 = arith.constant 1 : i32
        %dma_start3A_405 = arith.constant 0 : i32
        %dma_start3A_406 = arith.constant 0 : i32
        %dma_start3A_407 = tpu.memref_slice %arg9[%dma_start3A_404, %dma_start3A_405, %dma_start3A_406] : memref<4x64x16384xf32, #tpu.memory_space<vmem>> -> memref<1x64x16384xf32, #tpu.memory_space<vmem>>
        %dma_start3A_408 = tpu.memref_squeeze %dma_start3A_407 : memref<1x64x16384xf32, #tpu.memory_space<vmem>> -> memref<64x16384xf32, #tpu.memory_space<vmem>>
        %dma_start3A_409 = arith.constant 0 : i32
        %dma_start3A_410 = tpu.memref_slice %arg0[%dma_start3A_409, %mul3A_403] : memref<64x1000000xf32, #tpu.memory_space<hbm>> -> memref<64x16384xf32, #tpu.memory_space<hbm>>
        tpu.enqueue_dma source(%dma_start3A_410 : memref<64x16384xf32, #tpu.memory_space<hbm>>) target(%dma_start3A_408 : memref<64x16384xf32, #tpu.memory_space<vmem>>) target_semaphore(%arg13 : memref<!tpu.dma_semaphore, #tpu.memory_space<semaphore_mem>>)
        %mul3A_411 = arith.constant 16384 : i32
        %mul3A_412 = arith.muli %add3A_401, %mul3A_411 : i32
        %dma_start3A_413 = arith.constant 1 : i32
        %dma_start3A_414 = arith.constant 0 : i32
        %dma_start3A_415 = tpu.memref_slice %arg10[%dma_start3A_413, %dma_start3A_414] : memref<4x16384xf32, #tpu.memory_space<vmem>> -> memref<1x16384xf32, #tpu.memory_space<vmem>>
        %dma_start3A_416 = tpu.memref_squeeze %dma_start3A_415 : memref<1x16384xf32, #tpu.memory_space<vmem>> -> memref<16384xf32, #tpu.memory_space<vmem>>
        %dma_start3A_417 = tpu.memref_slice %arg1[%mul3A_412] : memref<1048576xf32, #tpu.memory_space<hbm>> -> memref<16384xf32, #tpu.memory_space<hbm>>
        tpu.enqueue_dma source(%dma_start3A_417 : memref<16384xf32, #tpu.memory_space<hbm>>) target(%dma_start3A_416 : memref<16384xf32, #tpu.memory_space<vmem>>) target_semaphore(%arg17 : memref<!tpu.dma_semaphore, #tpu.memory_space<semaphore_mem>>)
      } else {
      }
      %dma_wait3A_307 = arith.constant 2 : i32
      %dma_wait3A_308 = arith.constant 0 : i32
      %dma_wait3A_309 = arith.constant 0 : i32
      %dma_wait3A_310 = tpu.memref_slice %arg9[%dma_wait3A_307, %dma_wait3A_308, %dma_wait3A_309] : memref<4x64x16384xf32, #tpu.memory_space<vmem>> -> memref<1x64x16384xf32, #tpu.memory_space<vmem>>
      %dma_wait3A_311 = tpu.memref_squeeze %dma_wait3A_310 : memref<1x64x16384xf32, #tpu.memory_space<vmem>> -> memref<64x16384xf32, #tpu.memory_space<vmem>>
      %dma_wait3A_312 = arith.constant 0 : i32
      %dma_wait3A_313 = arith.constant 0 : i32
      %dma_wait3A_314 = tpu.memref_slice %arg0[%dma_wait3A_312, %dma_wait3A_313] : memref<64x1000000xf32, #tpu.memory_space<hbm>> -> memref<64x16384xf32, #tpu.memory_space<hbm>>
      tpu.wait_dma2 semaphore(%arg14 : memref<!tpu.dma_semaphore, #tpu.memory_space<semaphore_mem>>) src(%dma_wait3A_314 : memref<64x16384xf32, #tpu.memory_space<hbm>>) dst(%dma_wait3A_311 : memref<64x16384xf32, #tpu.memory_space<vmem>>)
      %dma_wait3A_315 = arith.constant 2 : i32
      %dma_wait3A_316 = arith.constant 0 : i32
      %dma_wait3A_317 = tpu.memref_slice %arg10[%dma_wait3A_315, %dma_wait3A_316] : memref<4x16384xf32, #tpu.memory_space<vmem>> -> memref<1x16384xf32, #tpu.memory_space<vmem>>
      %dma_wait3A_318 = tpu.memref_squeeze %dma_wait3A_317 : memref<1x16384xf32, #tpu.memory_space<vmem>> -> memref<16384xf32, #tpu.memory_space<vmem>>
      %dma_wait3A_319 = arith.constant 0 : i32
      %dma_wait3A_320 = tpu.memref_slice %arg1[%dma_wait3A_319] : memref<1048576xf32, #tpu.memory_space<hbm>> -> memref<16384xf32, #tpu.memory_space<hbm>>
      tpu.wait_dma2 semaphore(%arg18 : memref<!tpu.dma_semaphore, #tpu.memory_space<semaphore_mem>>) src(%dma_wait3A_320 : memref<16384xf32, #tpu.memory_space<hbm>>) dst(%dma_wait3A_318 : memref<16384xf32, #tpu.memory_space<vmem>>)
      %get3A_321 = arith.constant 2 : index
      %get3A_322 = arith.constant 0 : index
      %get3A_323 = arith.constant 0 : index
      %get3A_324 = vector.load %arg9[%get3A_321, %get3A_322, %get3A_323] : memref<4x64x16384xf32, #tpu.memory_space<vmem>>, vector<1x64x16384xf32>
      %get3A_325 = vector.shape_cast %get3A_324 : vector<1x64x16384xf32> to vector<64x16384xf32>
      %get3A_326 = arith.constant 2 : index
      %get3A_327 = arith.constant 0 : index
      %get3A_328 = vector.load %arg10[%get3A_326, %get3A_327] : memref<4x16384xf32, #tpu.memory_space<vmem>>, vector<1x16384xf32>
      %get3A_329 = vector.shape_cast %get3A_328 : vector<1x16384xf32> to vector<16384xf32>
      %broadcast_in_dim3A_330 = vector.shape_cast %get3A_329 : vector<16384xf32> to vector<1x16384xf32>
      %mul3A_331 = vector.broadcast %broadcast_in_dim3A_330 : vector<1x16384xf32> to vector<64x16384xf32>
      %mul3A_332 = arith.mulf %get3A_325, %mul3A_331 : vector<64x16384xf32>
      %slice3A_333 = vector.extract_strided_slice %mul3A_332 {offsets = [0, 0], sizes = [64, 8192], strides = [1, 1]} : vector<64x16384xf32> to vector<64x8192xf32>
      %slice3A_334 = vector.extract_strided_slice %mul3A_332 {offsets = [0, 8192], sizes = [64, 8192], strides = [1, 1]} : vector<64x16384xf32> to vector<64x8192xf32>
      %add3A_335 = arith.addf %slice3A_333, %slice3A_334 : vector<64x8192xf32>
      %slice3A_336 = vector.extract_strided_slice %add3A_335 {offsets = [0, 0], sizes = [64, 4096], strides = [1, 1]} : vector<64x8192xf32> to vector<64x4096xf32>
      %slice3A_337 = vector.extract_strided_slice %add3A_335 {offsets = [0, 4096], sizes = [64, 4096], strides = [1, 1]} : vector<64x8192xf32> to vector<64x4096xf32>
      %add3A_338 = arith.addf %slice3A_336, %slice3A_337 : vector<64x4096xf32>
      %get3A_339 = arith.constant 0 : index
      %get3A_340 = arith.constant 0 : index
      %get3A_341 = vector.load %arg11[%get3A_339, %get3A_340] : memref<64x2048xf32, #tpu.memory_space<vmem>>, vector<64x2048xf32>
      %slice3A_342 = vector.extract_strided_slice %add3A_338 {offsets = [0, 0], sizes = [64, 2048], strides = [1, 1]} : vector<64x4096xf32> to vector<64x2048xf32>
      %slice3A_343 = vector.extract_strided_slice %add3A_338 {offsets = [0, 2048], sizes = [64, 2048], strides = [1, 1]} : vector<64x4096xf32> to vector<64x2048xf32>
      %add3A_344 = arith.addf %slice3A_342, %slice3A_343 : vector<64x2048xf32>
      %add3A_345 = arith.addf %get3A_341, %add3A_344 : vector<64x2048xf32>
      %swap3A_346 = arith.constant 0 : index
      %swap3A_347 = arith.constant 0 : index
      %swap3A_348 = vector.load %arg11[%swap3A_346, %swap3A_347] : memref<64x2048xf32, #tpu.memory_space<vmem>>, vector<64x2048xf32>
      tpu.vector_store %arg11[%swap3A_346, %swap3A_347], %add3A_345 {strides = array<i32>} : memref<64x2048xf32, #tpu.memory_space<vmem>>, vector<64x2048xf32>,
      %add3A_349 = arith.constant 3 : i32
      %add3A_350 = arith.addi %mul3A_197, %add3A_349 : i32
      %add3A_351 = arith.constant 3 : i32
      %add3A_352 = arith.addi %add3A_350, %add3A_351 : i32
      %lt3A_353 = arith.constant 61 : i32
      %lt3A_354 = arith.cmpi slt, %add3A_352, %lt3A_353 : i32
      %convert_element_type3A_355 = arith.extui %lt3A_354 : i1 to i32
      %cond3A_356 = arith.constant 0 : i32
      %cond3A_357 = arith.cmpi ne, %convert_element_type3A_355, %cond3A_356 : i32
      scf.if %cond3A_357 {
        %add3A_400 = arith.constant 3 : i32
        %add3A_401 = arith.addi %add3A_350, %add3A_400 : i32
        %mul3A_402 = arith.constant 16384 : i32
        %mul3A_403 = arith.muli %add3A_401, %mul3A_402 : i32
        %dma_start3A_404 = arith.constant 2 : i32
        %dma_start3A_405 = arith.constant 0 : i32
        %dma_start3A_406 = arith.constant 0 : i32
        %dma_start3A_407 = tpu.memref_slice %arg9[%dma_start3A_404, %dma_start3A_405, %dma_start3A_406] : memref<4x64x16384xf32, #tpu.memory_space<vmem>> -> memref<1x64x16384xf32, #tpu.memory_space<vmem>>
        %dma_start3A_408 = tpu.memref_squeeze %dma_start3A_407 : memref<1x64x16384xf32, #tpu.memory_space<vmem>> -> memref<64x16384xf32, #tpu.memory_space<vmem>>
        %dma_start3A_409 = arith.constant 0 : i32
        %dma_start3A_410 = tpu.memref_slice %arg0[%dma_start3A_409, %mul3A_403] : memref<64x1000000xf32, #tpu.memory_space<hbm>> -> memref<64x16384xf32, #tpu.memory_space<hbm>>
        tpu.enqueue_dma source(%dma_start3A_410 : memref<64x16384xf32, #tpu.memory_space<hbm>>) target(%dma_start3A_408 : memref<64x16384xf32, #tpu.memory_space<vmem>>) target_semaphore(%arg14 : memref<!tpu.dma_semaphore, #tpu.memory_space<semaphore_mem>>)
        %mul3A_411 = arith.constant 16384 : i32
        %mul3A_412 = arith.muli %add3A_401, %mul3A_411 : i32
        %dma_start3A_413 = arith.constant 2 : i32
        %dma_start3A_414 = arith.constant 0 : i32
        %dma_start3A_415 = tpu.memref_slice %arg10[%dma_start3A_413, %dma_start3A_414] : memref<4x16384xf32, #tpu.memory_space<vmem>> -> memref<1x16384xf32, #tpu.memory_space<vmem>>
        %dma_start3A_416 = tpu.memref_squeeze %dma_start3A_415 : memref<1x16384xf32, #tpu.memory_space<vmem>> -> memref<16384xf32, #tpu.memory_space<vmem>>
        %dma_start3A_417 = tpu.memref_slice %arg1[%mul3A_412] : memref<1048576xf32, #tpu.memory_space<hbm>> -> memref<16384xf32, #tpu.memory_space<hbm>>
        tpu.enqueue_dma source(%dma_start3A_417 : memref<16384xf32, #tpu.memory_space<hbm>>) target(%dma_start3A_416 : memref<16384xf32, #tpu.memory_space<vmem>>) target_semaphore(%arg18 : memref<!tpu.dma_semaphore, #tpu.memory_space<semaphore_mem>>)
      } else {
      }
      %dma_wait3A_358 = arith.constant 3 : i32
      %dma_wait3A_359 = arith.constant 0 : i32
      %dma_wait3A_360 = arith.constant 0 : i32
      %dma_wait3A_361 = tpu.memref_slice %arg9[%dma_wait3A_358, %dma_wait3A_359, %dma_wait3A_360] : memref<4x64x16384xf32, #tpu.memory_space<vmem>> -> memref<1x64x16384xf32, #tpu.memory_space<vmem>>
      %dma_wait3A_362 = tpu.memref_squeeze %dma_wait3A_361 : memref<1x64x16384xf32, #tpu.memory_space<vmem>> -> memref<64x16384xf32, #tpu.memory_space<vmem>>
      %dma_wait3A_363 = arith.constant 0 : i32
      %dma_wait3A_364 = arith.constant 0 : i32
      %dma_wait3A_365 = tpu.memref_slice %arg0[%dma_wait3A_363, %dma_wait3A_364] : memref<64x1000000xf32, #tpu.memory_space<hbm>> -> memref<64x16384xf32, #tpu.memory_space<hbm>>
      tpu.wait_dma2 semaphore(%arg15 : memref<!tpu.dma_semaphore, #tpu.memory_space<semaphore_mem>>) src(%dma_wait3A_365 : memref<64x16384xf32, #tpu.memory_space<hbm>>) dst(%dma_wait3A_362 : memref<64x16384xf32, #tpu.memory_space<vmem>>)
      %dma_wait3A_366 = arith.constant 3 : i32
      %dma_wait3A_367 = arith.constant 0 : i32
      %dma_wait3A_368 = tpu.memref_slice %arg10[%dma_wait3A_366, %dma_wait3A_367] : memref<4x16384xf32, #tpu.memory_space<vmem>> -> memref<1x16384xf32, #tpu.memory_space<vmem>>
      %dma_wait3A_369 = tpu.memref_squeeze %dma_wait3A_368 : memref<1x16384xf32, #tpu.memory_space<vmem>> -> memref<16384xf32, #tpu.memory_space<vmem>>
      %dma_wait3A_370 = arith.constant 0 : i32
      %dma_wait3A_371 = tpu.memref_slice %arg1[%dma_wait3A_370] : memref<1048576xf32, #tpu.memory_space<hbm>> -> memref<16384xf32, #tpu.memory_space<hbm>>
      tpu.wait_dma2 semaphore(%arg19 : memref<!tpu.dma_semaphore, #tpu.memory_space<semaphore_mem>>) src(%dma_wait3A_371 : memref<16384xf32, #tpu.memory_space<hbm>>) dst(%dma_wait3A_369 : memref<16384xf32, #tpu.memory_space<vmem>>)
      %get3A_372 = arith.constant 3 : index
      %get3A_373 = arith.constant 0 : index
      %get3A_374 = arith.constant 0 : index
      %get3A_375 = vector.load %arg9[%get3A_372, %get3A_373, %get3A_374] : memref<4x64x16384xf32, #tpu.memory_space<vmem>>, vector<1x64x16384xf32>
      %get3A_376 = vector.shape_cast %get3A_375 : vector<1x64x16384xf32> to vector<64x16384xf32>
      %get3A_377 = arith.constant 3 : index
      %get3A_378 = arith.constant 0 : index
      %get3A_379 = vector.load %arg10[%get3A_377, %get3A_378] : memref<4x16384xf32, #tpu.memory_space<vmem>>, vector<1x16384xf32>
      %get3A_380 = vector.shape_cast %get3A_379 : vector<1x16384xf32> to vector<16384xf32>
      %broadcast_in_dim3A_381 = vector.shape_cast %get3A_380 : vector<16384xf32> to vector<1x16384xf32>
      %mul3A_382 = vector.broadcast %broadcast_in_dim3A_381 : vector<1x16384xf32> to vector<64x16384xf32>
      %mul3A_383 = arith.mulf %get3A_376, %mul3A_382 : vector<64x16384xf32>
      %slice3A_384 = vector.extract_strided_slice %mul3A_383 {offsets = [0, 0], sizes = [64, 8192], strides = [1, 1]} : vector<64x16384xf32> to vector<64x8192xf32>
      %slice3A_385 = vector.extract_strided_slice %mul3A_383 {offsets = [0, 8192], sizes = [64, 8192], strides = [1, 1]} : vector<64x16384xf32> to vector<64x8192xf32>
      %add3A_386 = arith.addf %slice3A_384, %slice3A_385 : vector<64x8192xf32>
      %slice3A_387 = vector.extract_strided_slice %add3A_386 {offsets = [0, 0], sizes = [64, 4096], strides = [1, 1]} : vector<64x8192xf32> to vector<64x4096xf32>
      %slice3A_388 = vector.extract_strided_slice %add3A_386 {offsets = [0, 4096], sizes = [64, 4096], strides = [1, 1]} : vector<64x8192xf32> to vector<64x4096xf32>
      %add3A_389 = arith.addf %slice3A_387, %slice3A_388 : vector<64x4096xf32>
      %get3A_390 = arith.constant 0 : index
      %get3A_391 = arith.constant 0 : index
      %get3A_392 = vector.load %arg11[%get3A_390, %get3A_391] : memref<64x2048xf32, #tpu.memory_space<vmem>>, vector<64x2048xf32>
      %slice3A_393 = vector.extract_strided_slice %add3A_389 {offsets = [0, 0], sizes = [64, 2048], strides = [1, 1]} : vector<64x4096xf32> to vector<64x2048xf32>
      %slice3A_394 = vector.extract_strided_slice %add3A_389 {offsets = [0, 2048], sizes = [64, 2048], strides = [1, 1]} : vector<64x4096xf32> to vector<64x2048xf32>
      %add3A_395 = arith.addf %slice3A_393, %slice3A_394 : vector<64x2048xf32>
      %add3A_396 = arith.addf %get3A_392, %add3A_395 : vector<64x2048xf32>
      %swap3A_397 = arith.constant 0 : index
      %swap3A_398 = arith.constant 0 : index
      %swap3A_399 = vector.load %arg11[%swap3A_397, %swap3A_398] : memref<64x2048xf32, #tpu.memory_space<vmem>>, vector<64x2048xf32>
      tpu.vector_store %arg11[%swap3A_397, %swap3A_398], %add3A_396 {strides = array<i32>} : memref<64x2048xf32, #tpu.memory_space<vmem>>, vector<64x2048xf32>,
    }
    %scan3A_47 = arith.constant 15 : i32
    %dma_wait3A = arith.constant 0 : i32
    %dma_wait3A_48 = arith.constant 0 : i32
    %dma_wait3A_49 = arith.constant 0 : i32
    %dma_wait3A_50 = tpu.memref_slice %arg9[%dma_wait3A, %dma_wait3A_48, %dma_wait3A_49] : memref<4x64x16384xf32, #tpu.memory_space<vmem>> -> memref<1x64x16384xf32, #tpu.memory_space<vmem>>
    %dma_wait3A_51 = tpu.memref_squeeze %dma_wait3A_50 : memref<1x64x16384xf32, #tpu.memory_space<vmem>> -> memref<64x16384xf32, #tpu.memory_space<vmem>>
    %dma_wait3A_52 = arith.constant 0 : i32
    %dma_wait3A_53 = arith.constant 0 : i32
    %dma_wait3A_54 = tpu.memref_slice %arg0[%dma_wait3A_52, %dma_wait3A_53] : memref<64x1000000xf32, #tpu.memory_space<hbm>> -> memref<64x16384xf32, #tpu.memory_space<hbm>>
    tpu.wait_dma2 semaphore(%arg12 : memref<!tpu.dma_semaphore, #tpu.memory_space<semaphore_mem>>) src(%dma_wait3A_54 : memref<64x16384xf32, #tpu.memory_space<hbm>>) dst(%dma_wait3A_51 : memref<64x16384xf32, #tpu.memory_space<vmem>>)
    %dma_wait3A_55 = arith.constant 0 : i32
    %dma_wait3A_56 = arith.constant 0 : i32
    %dma_wait3A_57 = tpu.memref_slice %arg10[%dma_wait3A_55, %dma_wait3A_56] : memref<4x16384xf32, #tpu.memory_space<vmem>> -> memref<1x16384xf32, #tpu.memory_space<vmem>>
    %dma_wait3A_58 = tpu.memref_squeeze %dma_wait3A_57 : memref<1x16384xf32, #tpu.memory_space<vmem>> -> memref<16384xf32, #tpu.memory_space<vmem>>
    %dma_wait3A_59 = arith.constant 0 : i32
    %dma_wait3A_60 = tpu.memref_slice %arg1[%dma_wait3A_59] : memref<1048576xf32, #tpu.memory_space<hbm>> -> memref<16384xf32, #tpu.memory_space<hbm>>
    tpu.wait_dma2 semaphore(%arg16 : memref<!tpu.dma_semaphore, #tpu.memory_space<semaphore_mem>>) src(%dma_wait3A_60 : memref<16384xf32, #tpu.memory_space<hbm>>) dst(%dma_wait3A_58 : memref<16384xf32, #tpu.memory_space<vmem>>)
    %get3A = arith.constant 0 : index
    %get3A_61 = arith.constant 0 : index
    %get3A_62 = arith.constant 0 : index
    %get3A_63 = vector.load %arg9[%get3A, %get3A_61, %get3A_62] : memref<4x64x16384xf32, #tpu.memory_space<vmem>>, vector<1x64x16384xf32>
    %get3A_64 = vector.shape_cast %get3A_63 : vector<1x64x16384xf32> to vector<64x16384xf32>
    %get3A_65 = arith.constant 0 : index
    %get3A_66 = arith.constant 0 : index
    %get3A_67 = vector.load %arg10[%get3A_65, %get3A_66] : memref<4x16384xf32, #tpu.memory_space<vmem>>, vector<1x16384xf32>
    %get3A_68 = vector.shape_cast %get3A_67 : vector<1x16384xf32> to vector<16384xf32>
    %broadcast_in_dim3A_69 = vector.shape_cast %get3A_68 : vector<16384xf32> to vector<1x16384xf32>
    %mul3A = vector.broadcast %broadcast_in_dim3A_69 : vector<1x16384xf32> to vector<64x16384xf32>
    %mul3A_70 = arith.mulf %get3A_64, %mul3A : vector<64x16384xf32>
    %slice3A = vector.extract_strided_slice %mul3A_70 {offsets = [0, 0], sizes = [64, 8192], strides = [1, 1]} : vector<64x16384xf32> to vector<64x8192xf32>
    %slice3A_71 = vector.extract_strided_slice %mul3A_70 {offsets = [0, 8192], sizes = [64, 8192], strides = [1, 1]} : vector<64x16384xf32> to vector<64x8192xf32>
    %add3A = arith.addf %slice3A, %slice3A_71 : vector<64x8192xf32>
    %slice3A_72 = vector.extract_strided_slice %add3A {offsets = [0, 0], sizes = [64, 4096], strides = [1, 1]} : vector<64x8192xf32> to vector<64x4096xf32>
    %slice3A_73 = vector.extract_strided_slice %add3A {offsets = [0, 4096], sizes = [64, 4096], strides = [1, 1]} : vector<64x8192xf32> to vector<64x4096xf32>
    %add3A_74 = arith.addf %slice3A_72, %slice3A_73 : vector<64x4096xf32>
    %get3A_75 = arith.constant 0 : index
    %get3A_76 = arith.constant 0 : index
    %get3A_77 = vector.load %arg11[%get3A_75, %get3A_76] : memref<64x2048xf32, #tpu.memory_space<vmem>>, vector<64x2048xf32>
    %slice3A_78 = vector.extract_strided_slice %add3A_74 {offsets = [0, 0], sizes = [64, 2048], strides = [1, 1]} : vector<64x4096xf32> to vector<64x2048xf32>
    %slice3A_79 = vector.extract_strided_slice %add3A_74 {offsets = [0, 2048], sizes = [64, 2048], strides = [1, 1]} : vector<64x4096xf32> to vector<64x2048xf32>
    %add3A_80 = arith.addf %slice3A_78, %slice3A_79 : vector<64x2048xf32>
    %add3A_81 = arith.addf %get3A_77, %add3A_80 : vector<64x2048xf32>
    %swap3A_82 = arith.constant 0 : index
    %swap3A_83 = arith.constant 0 : index
    %swap3A_84 = vector.load %arg11[%swap3A_82, %swap3A_83] : memref<64x2048xf32, #tpu.memory_space<vmem>>, vector<64x2048xf32>
    tpu.vector_store %arg11[%swap3A_82, %swap3A_83], %add3A_81 {strides = array<i32>} : memref<64x2048xf32, #tpu.memory_space<vmem>>, vector<64x2048xf32>,
    %dma_start3A_85 = arith.constant 1 : i32
    %dma_start3A_86 = arith.constant 0 : i32
    %dma_start3A_87 = arith.constant 0 : i32
    %dma_start3A_88 = tpu.memref_slice %arg9[%dma_start3A_85, %dma_start3A_86, %dma_start3A_87] : memref<4x64x16384xf32, #tpu.memory_space<vmem>> -> memref<1x64x16384xf32, #tpu.memory_space<vmem>>
    %dma_start3A_89 = tpu.memref_squeeze %dma_start3A_88 : memref<1x64x16384xf32, #tpu.memory_space<vmem>> -> memref<64x16384xf32, #tpu.memory_space<vmem>>
    %dma_start3A_90 = arith.constant 0 : i32
    %dma_start3A_91 = arith.constant 0 : i32
    %dma_start3A_92 = tpu.memref_slice %dma_start3A_89[%dma_start3A_90, %dma_start3A_91] : memref<64x16384xf32, #tpu.memory_space<vmem>> -> memref<64x512xf32, #tpu.memory_space<vmem>>
    %dma_start3A_93 = arith.constant 0 : i32
    %dma_start3A_94 = arith.constant 999424 : i32
    %dma_start3A_95 = tpu.memref_slice %arg0[%dma_start3A_93, %dma_start3A_94] : memref<64x1000000xf32, #tpu.memory_space<hbm>> -> memref<64x512xf32, #tpu.memory_space<hbm>>
    tpu.enqueue_dma source(%dma_start3A_95 : memref<64x512xf32, #tpu.memory_space<hbm>>) target(%dma_start3A_92 : memref<64x512xf32, #tpu.memory_space<vmem>>) target_semaphore(%arg13 : memref<!tpu.dma_semaphore, #tpu.memory_space<semaphore_mem>>)
    %dma_start3A_96 = arith.constant 1 : i32
    %dma_start3A_97 = arith.constant 0 : i32
    %dma_start3A_98 = tpu.memref_slice %arg10[%dma_start3A_96, %dma_start3A_97] : memref<4x16384xf32, #tpu.memory_space<vmem>> -> memref<1x16384xf32, #tpu.memory_space<vmem>>
    %dma_start3A_99 = tpu.memref_squeeze %dma_start3A_98 : memref<1x16384xf32, #tpu.memory_space<vmem>> -> memref<16384xf32, #tpu.memory_space<vmem>>
    %dma_start3A_100 = arith.constant 0 : i32
    %dma_start3A_101 = tpu.memref_slice %dma_start3A_99[%dma_start3A_100] : memref<16384xf32, #tpu.memory_space<vmem>> -> memref<512xf32, #tpu.memory_space<vmem>>
    %dma_start3A_102 = arith.constant 999424 : i32
    %dma_start3A_103 = tpu.memref_slice %arg1[%dma_start3A_102] : memref<1048576xf32, #tpu.memory_space<hbm>> -> memref<512xf32, #tpu.memory_space<hbm>>
    tpu.enqueue_dma source(%dma_start3A_103 : memref<512xf32, #tpu.memory_space<hbm>>) target(%dma_start3A_101 : memref<512xf32, #tpu.memory_space<vmem>>) target_semaphore(%arg17 : memref<!tpu.dma_semaphore, #tpu.memory_space<semaphore_mem>>)
    %dma_wait3A_104 = arith.constant 1 : i32
    %dma_wait3A_105 = arith.constant 0 : i32
    %dma_wait3A_106 = arith.constant 0 : i32
    %dma_wait3A_107 = tpu.memref_slice %arg9[%dma_wait3A_104, %dma_wait3A_105, %dma_wait3A_106] : memref<4x64x16384xf32, #tpu.memory_space<vmem>> -> memref<1x64x16384xf32, #tpu.memory_space<vmem>>
    %dma_wait3A_108 = tpu.memref_squeeze %dma_wait3A_107 : memref<1x64x16384xf32, #tpu.memory_space<vmem>> -> memref<64x16384xf32, #tpu.memory_space<vmem>>
    %dma_wait3A_109 = arith.constant 0 : i32
    %dma_wait3A_110 = arith.constant 0 : i32
    %dma_wait3A_111 = tpu.memref_slice %dma_wait3A_108[%dma_wait3A_109, %dma_wait3A_110] : memref<64x16384xf32, #tpu.memory_space<vmem>> -> memref<64x512xf32, #tpu.memory_space<vmem>>
    %dma_wait3A_112 = arith.constant 0 : i32
    %dma_wait3A_113 = arith.constant 0 : i32
    %dma_wait3A_114 = tpu.memref_slice %arg0[%dma_wait3A_112, %dma_wait3A_113] : memref<64x1000000xf32, #tpu.memory_space<hbm>> -> memref<64x512xf32, #tpu.memory_space<hbm>>
    tpu.wait_dma2 semaphore(%arg13 : memref<!tpu.dma_semaphore, #tpu.memory_space<semaphore_mem>>) src(%dma_wait3A_114 : memref<64x512xf32, #tpu.memory_space<hbm>>) dst(%dma_wait3A_111 : memref<64x512xf32, #tpu.memory_space<vmem>>)
    %dma_wait3A_115 = arith.constant 1 : i32
    %dma_wait3A_116 = arith.constant 0 : i32
    %dma_wait3A_117 = tpu.memref_slice %arg10[%dma_wait3A_115, %dma_wait3A_116] : memref<4x16384xf32, #tpu.memory_space<vmem>> -> memref<1x16384xf32, #tpu.memory_space<vmem>>
    %dma_wait3A_118 = tpu.memref_squeeze %dma_wait3A_117 : memref<1x16384xf32, #tpu.memory_space<vmem>> -> memref<16384xf32, #tpu.memory_space<vmem>>
    %dma_wait3A_119 = arith.constant 0 : i32
    %dma_wait3A_120 = tpu.memref_slice %dma_wait3A_118[%dma_wait3A_119] : memref<16384xf32, #tpu.memory_space<vmem>> -> memref<512xf32, #tpu.memory_space<vmem>>
    %dma_wait3A_121 = arith.constant 0 : i32
    %dma_wait3A_122 = tpu.memref_slice %arg1[%dma_wait3A_121] : memref<1048576xf32, #tpu.memory_space<hbm>> -> memref<512xf32, #tpu.memory_space<hbm>>
    tpu.wait_dma2 semaphore(%arg17 : memref<!tpu.dma_semaphore, #tpu.memory_space<semaphore_mem>>) src(%dma_wait3A_122 : memref<512xf32, #tpu.memory_space<hbm>>) dst(%dma_wait3A_120 : memref<512xf32, #tpu.memory_space<vmem>>)
    %iota3A = tpu.iota {dimensions = array<i32: 1>} : vector<1x16384xi32>
    %lt3A = arith.constant 512 : i32
    %lt3A_123 = vector.broadcast %lt3A : i32 to vector<1x16384xi32>
    %lt3A_124 = arith.cmpi slt, %iota3A, %lt3A_123 : vector<1x16384xi32>
    %get3A_125 = arith.constant 1 : index
    %get3A_126 = arith.constant 0 : index
    %get3A_127 = arith.constant 0 : index
    %get3A_128 = vector.load %arg9[%get3A_125, %get3A_126, %get3A_127] : memref<4x64x16384xf32, #tpu.memory_space<vmem>>, vector<1x64x16384xf32>
    %get3A_129 = vector.shape_cast %get3A_128 : vector<1x64x16384xf32> to vector<64x16384xf32>
    %get3A_130 = arith.constant 1 : index
    %get3A_131 = arith.constant 0 : index
    %get3A_132 = vector.load %arg10[%get3A_130, %get3A_131] : memref<4x16384xf32, #tpu.memory_space<vmem>>, vector<1x16384xf32>
    %get3A_133 = vector.shape_cast %get3A_132 : vector<1x16384xf32> to vector<16384xf32>
    %broadcast_in_dim3A_134 = vector.shape_cast %get3A_133 : vector<16384xf32> to vector<1x16384xf32>
    %mul3A_135 = vector.broadcast %broadcast_in_dim3A_134 : vector<1x16384xf32> to vector<64x16384xf32>
    %mul3A_136 = arith.mulf %get3A_129, %mul3A_135 : vector<64x16384xf32>
    %jit3A = arith.constant 0.000000e+00 : f32
    %broadcast_in_dim3A_137 = vector.shape_cast %lt3A_124 : vector<1x16384xi1> to vector<1x16384xi1>
    %broadcast_in_dim3A_138 = vector.broadcast %broadcast_in_dim3A_137 : vector<1x16384xi1> to vector<64x16384xi1>
    %broadcast_in_dim3A_139 = vector.broadcast %jit3A : f32 to vector<64x16384xf32>
    %select_n3A = arith.select %broadcast_in_dim3A_138, %mul3A_136, %broadcast_in_dim3A_139 : vector<64x16384xi1>, vector<64x16384xf32>
    %slice3A_140 = vector.extract_strided_slice %select_n3A {offsets = [0, 0], sizes = [64, 8192], strides = [1, 1]} : vector<64x16384xf32> to vector<64x8192xf32>
    %slice3A_141 = vector.extract_strided_slice %select_n3A {offsets = [0, 8192], sizes = [64, 8192], strides = [1, 1]} : vector<64x16384xf32> to vector<64x8192xf32>
    %add3A_142 = arith.addf %slice3A_140, %slice3A_141 : vector<64x8192xf32>
    %slice3A_143 = vector.extract_strided_slice %add3A_142 {offsets = [0, 0], sizes = [64, 4096], strides = [1, 1]} : vector<64x8192xf32> to vector<64x4096xf32>
    %slice3A_144 = vector.extract_strided_slice %add3A_142 {offsets = [0, 4096], sizes = [64, 4096], strides = [1, 1]} : vector<64x8192xf32> to vector<64x4096xf32>
    %add3A_145 = arith.addf %slice3A_143, %slice3A_144 : vector<64x4096xf32>
    %get3A_146 = arith.constant 0 : index
    %get3A_147 = arith.constant 0 : index
    %get3A_148 = vector.load %arg11[%get3A_146, %get3A_147] : memref<64x2048xf32, #tpu.memory_space<vmem>>, vector<64x2048xf32>
    %slice3A_149 = vector.extract_strided_slice %add3A_145 {offsets = [0, 0], sizes = [64, 2048], strides = [1, 1]} : vector<64x4096xf32> to vector<64x2048xf32>
    %slice3A_150 = vector.extract_strided_slice %add3A_145 {offsets = [0, 2048], sizes = [64, 2048], strides = [1, 1]} : vector<64x4096xf32> to vector<64x2048xf32>
    %add3A_151 = arith.addf %slice3A_149, %slice3A_150 : vector<64x2048xf32>
    %add3A_152 = arith.addf %get3A_148, %add3A_151 : vector<64x2048xf32>
    %swap3A_153 = arith.constant 0 : index
    %swap3A_154 = arith.constant 0 : index
    %swap3A_155 = vector.load %arg11[%swap3A_153, %swap3A_154] : memref<64x2048xf32, #tpu.memory_space<vmem>>, vector<64x2048xf32>
    tpu.vector_store %arg11[%swap3A_153, %swap3A_154], %add3A_152 {strides = array<i32>} : memref<64x2048xf32, #tpu.memory_space<vmem>>, vector<64x2048xf32>,
    %get3A_156 = arith.constant 0 : index
    %get3A_157 = arith.constant 0 : index
    %get3A_158 = vector.load %arg11[%get3A_156, %get3A_157] : memref<64x2048xf32, #tpu.memory_space<vmem>>, vector<64x2048xf32>
    %reduce_sum3A = arith.constant dense<0.000000e+00> : vector<64xf32>
    %reduce_sum3A_159 = vector.multi_reduction <add>, %get3A_158, %reduce_sum3A [1] : vector<64x2048xf32> to vector<64xf32>
    %broadcast_in_dim3A_160 = vector.shape_cast %reduce_sum3A_159 : vector<64xf32> to vector<64x1xf32>
    %get3A_161 = arith.constant 0 : index
    %get3A_162 = arith.constant 0 : index
    %get3A_163 = vector.load %arg2[%get3A_161, %get3A_162] : memref<64x64xf32, #tpu.memory_space<vmem>>, vector<64x64xf32>
    %get3A_164 = arith.constant 0 : index
    %get3A_165 = arith.constant 0 : index
    %get3A_166 = vector.load %arg3[%get3A_164, %get3A_165] : memref<64x1xf32, #tpu.memory_space<vmem>>, vector<64x1xf32>
    %dot_general3A = arith.constant dense<0.000000e+00> : vector<64x1xf32>
    %dot_general3A_167 = tpu.matmul %get3A_163, %get3A_166, %dot_general3A {dimension_numbers = #tpu.dot_dimension_numbers<[1], [0], [0], [1], [0, 0, 1, 1], [], []>, transpose_lhs_hint = false} : vector<64x64xf32>, vector<64x1xf32>, vector<64x1xf32> -> vector<64x1xf32>
    %add3A_168 = arith.addf %broadcast_in_dim3A_160, %dot_general3A_167 : vector<64x1xf32>
    %get3A_169 = arith.constant 0 : index
    %get3A_170 = arith.constant 0 : index
    %get3A_171 = vector.load %arg4[%get3A_169, %get3A_170] : memref<128x64xf32, #tpu.memory_space<vmem>>, vector<128x64xf32>
    %dot_general3A_172 = arith.constant dense<0.000000e+00> : vector<128x1xf32>
    %dot_general3A_173 = tpu.matmul %get3A_171, %add3A_168, %dot_general3A_172 {dimension_numbers = #tpu.dot_dimension_numbers<[1], [0], [0], [1], [0, 0, 1, 1], [], []>, transpose_lhs_hint = false} : vector<128x64xf32>, vector<64x1xf32>, vector<128x1xf32> -> vector<128x1xf32>
    %get3A_174 = arith.constant 0 : index
    %get3A_175 = arith.constant 0 : index
    %get3A_176 = vector.load %arg5[%get3A_174, %get3A_175] : memref<128x1xf32, #tpu.memory_space<vmem>>, vector<128x1xf32>
    %add3A_177 = arith.addf %dot_general3A_173, %get3A_176 : vector<128x1xf32>
    %max3A = arith.constant 0.000000e+00 : f32
    %max3A_178 = vector.broadcast %max3A : f32 to vector<128x1xf32>
    %max3A_179 = arith.maximumf %add3A_177, %max3A_178 : vector<128x1xf32>
    %get3A_180 = arith.constant 0 : index
    %get3A_181 = arith.constant 0 : index
    %get3A_182 = vector.load %arg6[%get3A_180, %get3A_181] : memref<2048x128xf32, #tpu.memory_space<vmem>>, vector<2048x128xf32>
    %dot_general3A_183 = arith.constant dense<0.000000e+00> : vector<1x2048xf32>
    %dot_general3A_184 = tpu.matmul %max3A_179, %get3A_182, %dot_general3A_183 {dimension_numbers = #tpu.dot_dimension_numbers<[0], [1], [1], [0], [0, 1, 1, 0], [], []>, transpose_lhs_hint = false} : vector<128x1xf32>, vector<2048x128xf32>, vector<1x2048xf32> -> vector<1x2048xf32>
    %get3A_185 = arith.constant 0 : index
    %get3A_186 = arith.constant 0 : index
    %get3A_187 = vector.load %arg7[%get3A_185, %get3A_186] : memref<1x2048xf32, #tpu.memory_space<vmem>>, vector<1x2048xf32>
    %add3A_188 = arith.addf %dot_general3A_184, %get3A_187 : vector<1x2048xf32>
    %max3A_189 = arith.constant 0.000000e+00 : f32
    %max3A_190 = vector.broadcast %max3A_189 : f32 to vector<1x2048xf32>
    %max3A_191 = arith.maximumf %add3A_188, %max3A_190 : vector<1x2048xf32>
    %swap3A_192 = arith.constant 0 : index
    %swap3A_193 = arith.constant 0 : index
    %swap3A_194 = vector.load %arg8[%swap3A_192, %swap3A_193] : memref<1x2048xf32, #tpu.memory_space<vmem>>, vector<1x2048xf32>
    tpu.vector_store %arg8[%swap3A_192, %swap3A_193], %max3A_191 {strides = array<i32>} : memref<1x2048xf32, #tpu.memory_space<vmem>>, vector<1x2048xf32>,
    return
  }
}

</mosaic_0001>

<sc_bundles>
// kernel: kernel.4.cloned.1.call-start
scs
__scs_entry_jumppad:
0x0: {  	(pc) =	sbr.rel $0x88, $3  }
0x1: {  	(tag) =	ssettag $0x0;
	lr =	simm.s32 $0x1  }
0x2: {  	[smem:$0x3F9B] =	sst lr;
	_ =	strace $0xD0000000  }
0x3: {  	_ = 	snop  }
0x4: {  	_ = 	snop  }
0x5: {  	_ = 	snop  }
0x6: {  	_ = 	snop  }
0x7: {  	_ = 	snop  }
__scs_overlays_trampoline_lowered:
0x8: {  	[smem:$0x3FAA] =	sst s0  }
0x9: {  	[smem:$0x3FAB] =	sst s1  }
0xa: {  	[smem:$0x3FAC] =	sst s2  }
0xb: {  	[smem:$0x3FAD] =	sst s3  }
0xc: {  	[smem:$0x3FAE] =	sst s4  }
0xd: {  	[smem:$0x3FAF] =	sst s5  }
0xe: {  	[smem:$0x3FB0] =	sst s6  }
0xf: {  	[smem:$0x3FB1] =	sst s7  }
0x10: {  	[smem:$0x3FB2] =	sst s8  }
0x11: {  	[smem:$0x3FB3] =	sst s9;
	s0 =	simm.s32 @!p0 $0x0  }
0x12: {  	s1 =	sld [smem:$0x3F99];
	s0 =	simm.s32 @p0 $0x1  }
0x13: {  	[smem:$0x3FB4] =	sst s0;
	s0 =	simm.s32 @!p1 $0x0  }
0x14: {  	s2 =	sld [smem:$0x3F98];
	s0 =	simm.s32 @p1 $0x1  }
0x15: {  	[smem:$0x3FB5] =	sst s0;
	s0 =	simm.s32 @!p2 $0x0  }
0x16: {  	s3 =	sld [smem:$0x3FDB];
	s0 =	simm.s32 @p2 $0x1  }
0x17: {  	s4 =	simm.s32 $0x1BF5;
	[smem:$0x3FB7] =	sst s0  }
0x18: {  	s0 =	sld [smem:$0x3F9A];
	_ =	swait.ge [sflag:s4], $0x0  }
0x19: {  	s7 =	sld [smem:$0x3F9B]  }
0x1a: {  	s8 =	sadd.s32 $0xFFFFE003, lr  }
0x1b: {  	s9 =	sadd.s32 $0xFFFFFEF7, lr;
	s5 =	simm.s32 $0xFFFFFFFF;
	p2 =	slt.u32 s8, $0xFFFFF086  }
0x1c: {  	p1 =	slt.u32 s9, $0xF7A;
	s5 =	simm.s32 @!p2 $0x0  }
0x1d: {  	s5 =	simm.s32 @p1 $0x1;
	p0 =	seq.s32 s7, s2  }
0x1e: {  	s7 =	smul.u32 @!p0 $0xF7A, s2;
	p2 =	seq.s32 @!p0 s5, $0x0  }
0x1f: {  	s9 =	smul.u32 $0xF7A, s1;
	s8 =	simm.s32 @!p0 $0x1BF5;
	p2 =	por !p2, p0  }
0x20: {  	[sflag:s8] =	ssyncset.s32 @!p0 $0xFFFFF086;
	s6 =	sadd.s32 @!p0 s3, s7;
	s7 =	simm.s32 @!p0 $0x108  }
0x21: {  	s3 =	sadd.s32 s3, s9;
	s6 =	sadd.s32 @!p0 $0x88, s6;
	s7 =	simm.s32 @p2 $0x1082  }
0x22: {  	[simem:s7], [sflag:s8] =	dma.local @!p0 [hbm:s6], $0xF7A  }
0x23: {  	s9 =	sor.u32 $0xD0000000, s2;
	s6 =	simm.s32 $0x108;
	_ =	swait.ge @!p0 [sflag:s8], $0x0  }
0x24: {  	s3 =	sadd.s32 $0x88, s3;
	s6 =	simm.s32 @!p1 $0x1082;
	[sflag:s4] =	ssyncset.s32 $0xFFFFF086  }
0x25: {  	[simem:s6], [sflag:s4] =	dma.local [hbm:s3], $0xF7A  }
0x26: {  	[smem:$0x3F9B] =	sst s1;
	(tag) =	ssettag s2;
	_ =	strace s9  }
0x27: {  	s1 =	sld [smem:$0x3FAB]  }
0x28: {  	s2 =	sld [smem:$0x3FAC]  }
0x29: {  	s4 =	sld [smem:$0x3FAE]  }
0x2a: {  	p0 =	seq.s32 s5, $0x0;
	s5 =	sld [smem:$0x3FAF]  }
0x2b: {  	s6 =	sld [smem:$0x3FB0]  }
0x2c: {  	s7 =	sld [smem:$0x3FB1]  }
0x2d: {  	s3 =	simm.s32 $0x108;
	s8 =	sld [smem:$0x3FB2]  }
0x2e: {  	s3 =	simm.s32 @!p0 $0x1082;
	s9 =	sld [smem:$0x3FB3]  }
0x2f: {  	lr =	sadd.s32 s0, s3;
	s0 =	sld [smem:$0x3FAA]  }
0x30: {  	s3 =	sld [smem:$0x3FAD]  }
0x31: {  	[smem:$0x3FB6] =	sst s10  }
0x32: {  	s10 =	sld [smem:$0x3FB4];
	_ =	sdelay $0x3  }
0x33: {  	p0 =	seq.s32 s10, $0x1;
	s10 =	sld [smem:$0x3FB6];
	_ =	sdelay $0x3  }
0x34: {  	[smem:$0x3FB6] =	sst s10  }
0x35: {  	s10 =	sld [smem:$0x3FB5];
	_ =	sdelay $0x3  }
0x36: {  	p1 =	seq.s32 s10, $0x1;
	s10 =	sld [smem:$0x3FB6];
	_ =	sdelay $0x3  }
0x37: {  	[smem:$0x3FB6] =	sst s10  }
0x38: {  	s10 =	sld [smem:$0x3FB7]  }
0x39: {  	_ = 	snop;
	(pc) =	sbr.ind lr, $3  }
0x3a: {  	_ = 	snop  }
0x3b: {  	_ = 	snop  }
0x3c: {  	p2 =	seq.s32 s10, $0x1;
	s10 =	sld [smem:$0x3FB6]  }
0x3d: {  	_ =	shalt  }
0x3e: {  	_ =	shalt  }
0x3f: {  	_ =	shalt  }
0x40: {  	_ =	shalt  }
0x41: {  	_ =	shalt  }
0x42: {  	_ =	shalt  }
0x43: {  	_ =	shalt  }
0x44: {  	_ =	shalt  }
0x45: {  	_ =	shalt  }
0x46: {  	_ =	shalt  }
0x47: {  	_ =	shalt  }
0x48: {  	_ =	shalt  }
0x49: {  	_ =	shalt  }
0x4a: {  	_ =	shalt  }
0x4b: {  	_ =	shalt  }
0x4c: {  	_ =	shalt  }
0x4d: {  	_ =	shalt  }
0x4e: {  	_ =	shalt  }
0x4f: {  	_ =	shalt  }
0x50: {  	_ =	shalt  }
0x51: {  	_ =	shalt  }
0x52: {  	_ =	shalt  }
0x53: {  	_ =	shalt  }
0x54: {  	_ =	shalt  }
0x55: {  	_ =	shalt  }
0x56: {  	_ =	shalt  }
0x57: {  	_ =	shalt  }
0x58: {  	_ =	shalt  }
0x59: {  	_ =	shalt  }
0x5a: {  	_ =	shalt  }
0x5b: {  	_ =	shalt  }
0x5c: {  	_ =	shalt  }
0x5d: {  	_ =	shalt  }
0x5e: {  	_ =	shalt  }
0x5f: {  	_ =	shalt  }
0x60: {  	_ =	shalt  }
0x61: {  	_ =	shalt  }
0x62: {  	_ =	shalt  }
0x63: {  	_ =	shalt  }
0x64: {  	_ =	shalt  }
0x65: {  	_ =	shalt  }
0x66: {  	_ =	shalt  }
0x67: {  	_ =	shalt  }
0x68: {  	_ =	shalt  }
0x69: {  	_ =	shalt  }
0x6a: {  	_ =	shalt  }
0x6b: {  	_ =	shalt  }
0x6c: {  	_ =	shalt  }
0x6d: {  	_ =	shalt  }
0x6e: {  	_ =	shalt  }
0x6f: {  	_ =	shalt  }
0x70: {  	_ =	shalt  }
0x71: {  	_ =	shalt  }
0x72: {  	_ =	shalt  }
0x73: {  	_ =	shalt  }
0x74: {  	_ =	shalt  }
0x75: {  	_ =	shalt  }
0x76: {  	_ =	shalt  }
0x77: {  	_ =	shalt  }
0x78: {  	_ =	shalt  }
0x79: {  	_ =	shalt  }
0x7a: {  	_ =	shalt  }
0x7b: {  	_ =	shalt  }
0x7c: {  	_ =	shalt  }
0x7d: {  	_ =	shalt  }
0x7e: {  	_ =	shalt  }
0x7f: {  	_ =	shalt  }
0x80: {  	_ =	shalt  }
0x81: {  	_ =	shalt  }
0x82: {  	_ =	shalt  }
0x83: {  	_ =	shalt  }
0x84: {  	_ =	shalt  }
0x85: {  	_ =	shalt  }
0x86: {  	_ =	shalt  }
0x87: {  	_ =	shalt  }
.Lfunc_end0:
.L_simem_size_0:
called_computation_lowered:
.L_overlay_start_0:
0x88: {  	s2 =	sld [smem:$0x3FD9]  }
0x89: {  	s3 =	sld [smem:$0x3FFE];
	_ =	sdelay $0x1  }
0x8a: {  	s1 =	srdreg.scid  }
0x8b: {  	s0 =	sand.u32 $0x1, s1  }
0x8c: {  	s17 =	sshll.u32 s0, $0xA;
	s2 =	sadd.s32 s3, s2  }
0x8d: {  	s2 =	sadd.s32 s2, s17  }
0x8e: {  	[smem:$0x3FC2] =	sst s2  }
0x8f: {  	_ = 	snop  }
0x90: {  	s2 =	sld [smem:$0x3FC9];
	(tm) =	ssettm $0x1  }
0x91: {  	s18 =	sld [smem:$0x3FFB];
	_ =	sdelay $0x3  }
0x92: {  	_ =	strace s18  }
0x93: {  	s3 =	sld [smem:$0x3FFC];
	_ =	sdelay $0x3  }
0x94: {  	_ =	strace s3  }
0x95: {  	s3 =	sld [smem:$0x3FFD];
	_ =	sdelay $0x3  }
0x96: {  	_ =	strace s3  }
0x97: {  	_ =	strace $0x8FFFFFFF  }
0x98: {  	s19 =	sld [smem:$0x3FDB];
	_ =	sdelay $0x1  }
0x99: {  	s4 =	simm.s32 $_scs_section_size  }
0x9a: {  	s5 =	simm.s32 $_size__tile_overlayer_lowered;
	s6 =	simm.s32 $_tile_overlayer_lowered  }
0x9b: {  	s22 =	simm.s32 $0x1BFF;
	s21 =	sshll.u32 s6, $0x1;
	s3 =	sadd.s32 s4, s19  }
0x9c: {  	s7 =	simm.s32 $0x0;
	s20 =	sshll.u32 s5, $0x1;
	s5 =	sadd.s32 s21, s3  }
0x9d: {  	[timem:s7], [sflag:s22] =	dma.local [hbm:s5], s20  }
0x9e: {  	_ =	swait.ge [sflag:s22], s20  }
0x9f: {  	s4 =	ssub.s32 $0x0, s20;
	[sflag:s22] =	ssyncset.done $0x0  }
0xa0: {  	[sflag:s22] =	ssyncadd.s32 s4;
	_ =	sdelay $0x1  }
0xa1: {  	s23 =	simm.s32 $0x1B8B  }
0xa2: {  	_ =	swait.ge [sflag:s23], $0x1  }
0xa3: {  	[sflag:s23] =	ssyncset.done $0x0  }
0xa4: {  	s25 =	simm.s32 $0x1B8E;
	s24 =	sld [smem:$0x3FFE];
	[sflag:s23] =	ssyncadd.s32 $0xFFFFFFFF  }
0xa5: {  	s26 =	simm.s32 $execute0_lowered;
	[smem:$0x3FD2] =	sst s25  }
0xa6: {  	s5 =	sshll.u32 s26, $0x1;
	_ =	strace $0x80000046;
	[dreg:$0x1] =	wrdreg $0xFFFFFFFF  }
0xa7: {  	s28 =	simm.s32 $_size_execute0_lowered;
	s3 =	sadd.s32 s3, s5;
	[dreg:$0x0] =	wrdreg $0x0  }
0xa8: {  	s5 =	sshll.u32 s28, $0x1;
	[dreg:$0x2] =	wrdreg s3  }
0xa9: {  	[dreg:$0x3] =	wrdreg s5  }
0xaa: {  	[dreg:$0x4] =	wrdreg $0xC0  }
0xab: {  	_ =	task [dreg:s7], $0x5FFFF  }
0xac: {  	[dreg:$0x1] =	wrdreg $0xFFFFFFFF  }
0xad: {  	[dreg:$0x0] =	wrdreg $0x60  }
0xae: {  	[dreg:$0x2] =	wrdreg s2  }
0xaf: {  	[dreg:$0x3] =	wrdreg s24  }
0xb0: {  	[dreg:$0x4] =	wrdreg $0x9  }
0xb1: {  	_ =	task.clear_ibuf [dreg:s7], $0x5FFFF;
	_ =	strace $0x90000046  }
0xb2: {  	s29 =	simm.s32 $0x9;
	_ =	strace $0x80000048  }
0xb3: {  	_ =	swait.ge [sflag:s29], $0x1  }
0xb4: {  	[sflag:s29] =	ssyncadd.s32 $0xFFFFFFFF  }
0xb5: {  	_ =	strace $0x90000048  }
0xb6: {  	_ =	sfence  }
0xb7: {  	s30 =	sld [smem:$0x0];
	_ =	sdelay $0x2  }
0xb8: {  	s31 =	sshll.u32 s1, $0xD;
	s1 =	sshrl.u32 s1, $0x2  }
0xb9: {  	s3 =	sand.u32 $0x4000, s31;
	s1 =	sadd.s32 s1, s30  }
0xba: {  	s0 =	sor.u32 s3, s0;
	s1 =	sshll.u32 s1, $0x11  }
0xbb: {  	s0 =	sor.u32 s1, s0  }
0xbc: {  	s0 =	sadd.s32 $0x8F2B, s0  }
0xbd: {  	[sflag:s0] =	ssyncadd.remote.s32 $0x1  }
0xbe: {  	_ =	sfence.sel $0xFFFF  }
0xbf: {  	[dreg:$0x0] =	wrdreg $0xFFFFFFFF;
	(pc) =	sbr.abs _section_cstart, $3  }
0xc0: {  	[dreg:$0x1] =	wrdreg $0xFFFFFFFF  }
0xc1: {  	_ =	task.clear_ibuf [dreg:s7], $0x2FFFF;
	_ =	strace $0x9FFFFFFF  }
0xc2: {  	(tm) =	ssettm $0x7FFFFFFF  }
0xc3: {  	_ =	shalt  }
tec
execute0_lowered:
.L_overlay_start_1:
0x0: {  	(tag) =	ssettag $0x1  }
0x1: {  	s2 =	rddreg [dreg:$0x0];
	s0 =	srdreg.scid  }
0x2: {  	s4 =	rddreg [dreg:$0x1];
	s1 =	stileid.u32;
	s3 =	simm.s32 $0x0  }
0x3: {  	s9 =	simm.s32 $0x0;
	s5 =	sand.u32 $0x1, s0;
	s0 =	rddreg [dreg:$0x2]  }
0x4: {  	s6 =	sshll.u32 s1, $0x10;
	s7 =	sshll.u32 s5, $0xF;
	s5 =	ssub.s32 $0x2, s5  }
0x5: {  	[smem:$0x7FF] =	sst s3;
	s7 =	sor.u32 s7, s6;
	s8 =	sshrl.u32 s5, $0x1  }
0x6: {  	_ =	strace $0x80000047;
	s6 =	sshrl.u32 s7, $0x3;
	s8 =	ssub.s32 s5, s8  }
0x7: {  	v0 =	vmov s7;
	s7 =	simm.s32 $0x4000;
	s6 =	sadd.s32 s6, s4;
	s4 =	sadd.s32 $0xE00, s4  }
0x8: {  	v1 =	vimm.f32 $1.000000000e+00;
	s5 =	sadd.s32 $0x1E00, s6;
	s6 =	smax.u32 s8, $0x1;
	s8 =	simm.s32 $0x1  }
.LBB2_1:
0x9: {  	[tilespmem:s7], [sflag:$0x1] =	stream.linear.gather [hbm4b:s4+s3], $0x8000, $0x38;
	[tilespmem:$0xC000] =	vst v63  }
0xa: {  	_ =	swait.ge [sflag:s8], $0x8000  }
0xb: {  	[sflag:s8] =	ssyncset.done $0x0  }
0xc: {  	[sflag:s8] =	ssyncadd.s32 $0xFFFF8000  }
0xd: {  	[tilespmem:s3], [sflag:$0x1] =	stream.linear.gather [hbm4b:s2+s3], $0x4000, $0x38;
	[tilespmem:$0xC000] =	vst v63  }
0xe: {  	_ =	swait.ge [sflag:s8], $0x4000  }
0xf: {  	[sflag:s8] =	ssyncset.done $0x0  }
0x10: {  	s10 =	simm.s32 $0x0;
	[sflag:s8] =	ssyncadd.s32 $0xFFFFC000  }
.LBB2_2:
0x11: {  	s11 =	sshra.s32 s10, $0x2  }
0x12: {  	v2 =	vld [tilespmem:s11+$0x0];
	_ =	sdelay $0x4  }
0x13: {  	v3 =	vsub.s32 v2, v0  }
0x14: {  	vm0 =	vlt.u32 v3, $0x8000  }
0x15: {  	v2 =	vand.u32 $0x7FFF, v2;
	_ =	sdelay $0x4  }
0x16: {  	[tilespmem:v2+s7+$0x0] =	vst.idx.add.f32.msk vm0, v1  }
0x17: {  	v2 =	vld [tilespmem:s11+$0x10];
	_ =	sdelay $0x4  }
0x18: {  	v3 =	vsub.s32 v2, v0  }
0x19: {  	vm13 =	vlt.u32 v3, $0x8000  }
0x1a: {  	v2 =	vand.u32 $0x7FFF, v2;
	_ =	sdelay $0x4  }
0x1b: {  	[tilespmem:v2+s7+$0x0] =	vst.idx.add.f32.msk vm13, v1  }
0x1c: {  	v2 =	vld [tilespmem:s11+$0x20];
	_ =	sdelay $0x4  }
0x1d: {  	v3 =	vsub.s32 v2, v0  }
0x1e: {  	vm14 =	vlt.u32 v3, $0x8000  }
0x1f: {  	v2 =	vand.u32 $0x7FFF, v2;
	_ =	sdelay $0x4  }
0x20: {  	[tilespmem:v2+s7+$0x0] =	vst.idx.add.f32.msk vm14, v1  }
0x21: {  	v2 =	vld [tilespmem:s11+$0x30];
	_ =	sdelay $0x4  }
0x22: {  	v3 =	vsub.s32 v2, v0  }
0x23: {  	vm15 =	vlt.u32 v3, $0x8000  }
0x24: {  	p0 =	sne.s32 s10, $0xFF00;
	v2 =	vand.u32 $0x7FFF, v2  }
.Ltmp0:
0x25: {  	_ = 	snop;
	(pc) =	sbr.rel @p0 .LBB2_2-.Ltmp0, $2  }
0x26: {  	_ =	sdelay $0x2  }
0x27: {  	s10 =	sadd.s32 $0x100, s10;
	[tilespmem:v2+s7+$0x0] =	vst.idx.add.f32.msk vm15, v1  }
0x28: {  	s9 =	sadd.s32 $0x1, s9  }
0x29: {  	p0 =	sne.s32 s9, s6  }
.Ltmp1:
0x2a: {  	_ = 	snop;
	(pc) =	sbr.rel @p0 .LBB2_1-.Ltmp1, $4  }
0x2b: {  	[hbm4b:s5+s3] =	stream.linear.scatter [tilespmem:s7], [sflag:$0x1], $0x8000, $0x38;
	[tilespmem:$0xC000] =	vst v63  }
0x2c: {  	_ =	swait.ge [sflag:s8], $0x8000  }
0x2d: {  	[sflag:s8] =	ssyncset.done $0x0  }
0x2e: {  	[sflag:s8] =	ssyncadd.s32 $0xFFFF8000  }
0x2f: {  	_ =	sfence.sel $0x180000  }
0x30: {  	[bflag:$0x0] =	sbarrier.arrive $0xFFFF  }
0x31: {  	p0 =	sne.s32 s1, $0x0;
	_ =	strace $0x90000047  }
0x32: {  	s0 =	sadd.s32 @!p0 $0x100000, s0;
	[bflag:$0x2] =	sbarrier.arrive $0xFFFF  }
0x33: {  	[sflag:s0] =	ssyncadd.tile.s32 @!p0 $0x1;
	_ =	shalt  }
.Lfunc_end2:
_tile_overlayer_lowered:
.L_overlay_start_2:
0x34: {  	(tag) =	ssettag $0x2  }
0x35: {  	s0 =	rddreg [dreg:$0x0];
	s2 =	stileid.u32  }
0x36: {  	s1 =	rddreg [dreg:$0x1];
	p0 =	sne.s32 s2, $0x0  }
0x37: {  	s3 =	rddreg [dreg:$0x2];
	[bflag:$0x3] =	sbarrier.arrive $0xFFFF;
	s2 =	simm.s32 @!p0 $0x1C01  }
0x38: {  	[timem:s3], [sflag:s2] =	dma.local @!p0 [hbm:s0], s1  }
0x39: {  	s0 =	simm.s32 @!p0 $0x1  }
0x3a: {  	_ =	swait.ge @!p0 [sflag:s0], s1  }
0x3b: {  	s1 =	ssub.s32 @!p0 $0x0, s1;
	[sflag:s0] =	ssyncset.done @!p0 $0x0  }
0x3c: {  	[sflag:s0] =	ssyncadd.s32 @!p0 s1  }
0x3d: {  	[bflag:$0x3] =	sbarrier.arrive $0xFFFF  }
0x3e: {  	_ =	shalt  }

</sc_bundles>
